<compile_context>
chip_gen: v7x
topology: tpu7x:2x2x1
jax: 0.10.2.dev20260603
libtpu: 0.0.44.dev20260713+nightly
codegen_flags: <defaults>
</compile_context>

<pallas_src>
import functools

import jax
import jax.numpy as jnp
from jax import lax
from jax.experimental import pallas as pl
from jax.experimental.pallas import tpu as pltpu
from jax.experimental.pallas import tpu_sc as plsc

NUM_NODES = 100000
MEM = 128
RAW = 128
TIME = 128
B = 16384
IN_DIM = 2 * MEM + RAW + TIME

NW = 32
BPW = B // NW
NCH = BPW // 128
TPW = 3136
NPAD = NW * TPW
NVEC = B // 16
SENT = 4095
VBITS = 20

_mesh = plsc.VectorSubcoreMesh(core_axis_name="c", subcore_axis_name="s")


@functools.partial(
    pl.kernel,
    mesh=_mesh,
    out_type=[
        jax.ShapeDtypeStruct((B, MEM), jnp.float32),
        jax.ShapeDtypeStruct((B, MEM), jnp.float32),
        jax.ShapeDtypeStruct((B, MEM), jnp.float32),
        jax.ShapeDtypeStruct((B,), jnp.int32),
    ],
    scratch_types=[
        pltpu.VMEM((BPW,), jnp.int32),
        pltpu.VMEM((BPW,), jnp.int32),
        pltpu.VMEM((BPW,), jnp.int32),
        pltpu.VMEM((BPW,), jnp.int32),
        pltpu.VMEM((BPW, MEM), jnp.float32),
        pltpu.SemaphoreType.DMA,
    ],
    compiler_params=pltpu.CompilerParams(needs_layout_passes=False),
)
def _sc_gather(mem_hbm, lu_hbm, nid_hbm, ds_hbm, dd_hbm,
               mn_out, ms_out, md_out, lun_out,
               nid_w, ds_w, dd_w, lu_w, rows, sem):
    wid = lax.axis_index("s") * 2 + lax.axis_index("c")
    base = wid * BPW

    pltpu.sync_copy(nid_hbm.at[pl.ds(base, BPW)], nid_w)
    pltpu.sync_copy(ds_hbm.at[pl.ds(base, BPW)], ds_w)
    pltpu.sync_copy(dd_hbm.at[pl.ds(base, BPW)], dd_w)

    cps = [pltpu.async_copy(lu_hbm.at[nid_w.at[pl.ds(c * 128, 128)]],
                            lu_w.at[pl.ds(c * 128, 128)], sem)
           for c in range(NCH)]
    for cp in cps:
        cp.wait()
    pltpu.sync_copy(lu_w, lun_out.at[pl.ds(base, BPW)])

    def gather_rows(idx_ref, out_ref):
        cs = [pltpu.async_copy(mem_hbm.at[idx_ref.at[pl.ds(c * 128, 128)]],
                               rows.at[pl.ds(c * 128, 128)], sem)
              for c in range(NCH)]
        for cp in cs:
            cp.wait()
        pltpu.sync_copy(rows, out_ref.at[pl.ds(base, BPW)])

    gather_rows(nid_w, mn_out)
    gather_rows(ds_w, ms_out)
    gather_rows(dd_w, md_out)


@functools.partial(
    pl.kernel,
    mesh=_mesh,
    out_type=[
        jax.ShapeDtypeStruct((NPAD,), jnp.int32),
    ],
    scratch_types=[
        pltpu.VMEM((B,), jnp.int32),
        pltpu.VMEM((B,), jnp.int32),
        pltpu.VMEM((B,), jnp.int32),
        pltpu.VMEM((TPW,), jnp.int32),
    ],
    compiler_params=pltpu.CompilerParams(needs_layout_passes=False),
)
def _sc_scatmax(nid_hbm, ts_hbm, td_hbm, order_dep, tab_out,
                nid_all, ts_all, td_all, table):
    del order_dep
    wid = lax.axis_index("s") * 2 + lax.axis_index("c")

    pltpu.sync_copy(nid_hbm, nid_all)
    pltpu.sync_copy(ts_hbm, ts_all)
    pltpu.sync_copy(td_hbm, td_all)

    def zero_body(i, carry):
        table[pl.ds(i * 16, 16)] = jnp.zeros((16,), jnp.int32)
        return carry

    lax.fori_loop(0, TPW // 16, zero_body, 0)

    lo = wid * TPW
    lane = lax.iota(jnp.int32, 16)
    rotkey = (lane + 15) & 15

    def ev_body(i, carry):
        idx = nid_all[pl.ds(i * 16, 16)]
        tsv = ts_all[pl.ds(i * 16, 16)]
        tdv = td_all[pl.ds(i * 16, 16)]
        val = jnp.maximum(tsv, tdv)
        rel = idx - lo
        inr = (rel >= 0) & (rel < TPW)
        keyp = jnp.where(inr, rel, SENT)
        comp = (keyp.astype(jnp.uint32) << VBITS) | val.astype(jnp.uint32)
        compi = comp.astype(jnp.int32)
        _, s32 = plsc.sort_key_val(compi, compi)
        s = s32.astype(jnp.uint32)
        k2 = (s >> VBITS).astype(jnp.int32)
        v2 = (s & ((1 << VBITS) - 1)).astype(jnp.int32)
        _, rot = plsc.sort_key_val(rotkey, s)
        nk = (rot >> VBITS).astype(jnp.int32)
        last = (k2 != nk) | (lane == 15)
        wm = last & (k2 != SENT)
        skc = jnp.minimum(k2, TPW - 1)
        cur = plsc.load_gather(table, [skc])
        newv = jnp.maximum(cur, v2)
        plsc.store_scatter(table, [skc], newv, mask=wm)
        return carry

    lax.fori_loop(0, NVEC, ev_body, 0)

    pltpu.sync_copy(table, tab_out.at[pl.ds(lo, TPW)])


@functools.partial(
    pl.kernel,
    mesh=_mesh,
    out_type=[jax.ShapeDtypeStruct((B,), jnp.int32)],
    scratch_types=[
        pltpu.VMEM((BPW,), jnp.int32),
        pltpu.VMEM((BPW,), jnp.int32),
        pltpu.SemaphoreType.DMA,
    ],
)
def _sc_lookup(tab_hbm, nid_hbm, out_hbm, idx_w, res_w, sem):
    wid = lax.axis_index("s") * 2 + lax.axis_index("c")
    base = wid * BPW
    pltpu.sync_copy(nid_hbm.at[pl.ds(base, BPW)], idx_w)
    cps = [pltpu.async_copy(tab_hbm.at[idx_w.at[pl.ds(c * 128, 128)]],
                            res_w.at[pl.ds(c * 128, 128)], sem)
           for c in range(NCH)]
    for cp in cps:
        cp.wait()
    pltpu.sync_copy(res_w, out_hbm.at[pl.ds(base, BPW)])


BLK = 1024


def _fast_cos(x):
    n = jnp.round(x * 0.15915494)
    nh = jnp.floor(n * 0.0009765625)
    nl = n - nh * 1024.0
    r = x - nh * 6432.0
    r = r - nl * 6.28125
    r = r - n * 0.0019353072
    u = r * r
    p = -2.0301664e-07
    p = p * u + 2.3758734e-05
    p = p * u - 0.0013816874
    p = p * u + 0.041643132
    p = p * u - 0.49996909
    p = p * u + 0.99999028
    return p


def _tc_body(mn, ms, md, rs, rd, ts, td, lu, tw, tb, wih, whh, bih, bhh, out):
    h = mn[...]
    dst = 0.5 * (ms[...] + md[...])
    raw = 0.5 * (rs[...] + rd[...])
    twv = tw[...]
    tbv = tb[...]
    tsc = jnp.transpose((ts[...] - lu[...]).reshape(1, BLK))
    tdc = jnp.transpose((td[...] - lu[...]).reshape(1, BLK))
    trel_s = tsc.astype(jnp.float32)
    trel_d = tdc.astype(jnp.float32)
    enc = 0.5 * (_fast_cos(trel_s * twv + tbv) + _fast_cos(trel_d * twv + tbv))
    aggr = jnp.concatenate([h, dst, raw, enc], axis=1)
    gi = lax.dot_general(aggr, wih[...], (((1,), (1,)), ((), ())),
                         preferred_element_type=jnp.float32) + bih[...]
    gh = lax.dot_general(h, whh[...], (((1,), (1,)), ((), ())),
                         preferred_element_type=jnp.float32) + bhh[...]
    r = jax.nn.sigmoid(gi[:, :MEM] + gh[:, :MEM])
    z = jax.nn.sigmoid(gi[:, MEM:2 * MEM] + gh[:, MEM:2 * MEM])
    n = jnp.tanh(gi[:, 2 * MEM:] + r * gh[:, 2 * MEM:])
    out[...] = (1.0 - z) * n + z * h


def _tc_dense(mn, ms, md, rs, rd, ts2, td2, lu2, tw2, tb2, wih, whh, bih2, bhh2):
    bs_feat = pl.BlockSpec((BLK, MEM), lambda i: (i, 0))
    bs_row = pl.BlockSpec((1, 1, BLK), lambda i: (i, 0, 0))

    def const(shape):
        return pl.BlockSpec(shape, lambda i: (0, 0))

    return pl.pallas_call(
        _tc_body,
        grid=(B // BLK,),
        in_specs=[bs_feat] * 5 + [bs_row] * 3 + [
            const((1, TIME)), const((1, TIME)),
            const((3 * MEM, IN_DIM)), const((3 * MEM, MEM)),
            const((1, 3 * MEM)), const((1, 3 * MEM)),
        ],
        out_specs=bs_feat,
        out_shape=jax.ShapeDtypeStruct((B, MEM), jnp.float32),
    )(mn, ms, md, rs, rd, ts2, td2, lu2, tw2, tb2, wih, whh, bih2, bhh2)


def kernel(n_id, dst_s, dst_d, t_s, t_d, raw_msg_s, raw_msg_d, memory,
           last_update, time_w, time_b, w_ih, w_hh, b_ih, b_hh):
    mn, ms, md, lun = _sc_gather(memory, last_update, n_id, dst_s, dst_d)
    (tab,) = _sc_scatmax(n_id, t_s, t_d, mn)
    (nlu,) = _sc_lookup(tab, n_id)
    new_memory = _tc_dense(
        mn, ms, md, raw_msg_s, raw_msg_d,
        t_s.reshape(B // BLK, 1, BLK), t_d.reshape(B // BLK, 1, BLK),
        lun.reshape(B // BLK, 1, BLK),
        time_w.reshape(1, TIME), time_b.reshape(1, TIME),
        w_ih, w_hh, b_ih.reshape(1, 3 * MEM), b_hh.reshape(1, 3 * MEM))
    return new_memory, nlu

# --- scband reference (transcript-rebuilt; emitter-appended) ---
"""Pipeline reference for scband-dy-rep-memory-22428319220241 (READ-ONLY COPY).

The authoritative reference and input builder live on the scoring server;
editing this copy changes nothing except your own understanding.
"""

import jax, jax.numpy as jnp
import numpy as np

NUM_NODES = 100000
MEM = 128
RAW = 128
TIME = 128
B = 16384
IN_DIM = 2 * MEM + RAW + TIME  # IdentityMessage out_channels = 512


def setup_inputs(seed: int = 0) -> dict:
    key = jax.random.key(seed)
    ks = jax.random.split(key, 16)
    n_id = jax.random.randint(ks[0], (B,), 0, NUM_NODES)
    dst_s = jax.random.randint(ks[1], (B,), 0, NUM_NODES)
    dst_d = jax.random.randint(ks[2], (B,), 0, NUM_NODES)
    t_s = jax.random.randint(ks[3], (B,), 0, 1000000)
    t_d = jax.random.randint(ks[4], (B,), 0, 1000000)
    raw_msg_s = jax.random.normal(ks[5], (B, RAW), dtype=jnp.float32)
    raw_msg_d = jax.random.normal(ks[6], (B, RAW), dtype=jnp.float32)
    memory = jax.random.normal(ks[7], (NUM_NODES, MEM), dtype=jnp.float32) * 0.1
    last_update = jax.random.randint(ks[8], (NUM_NODES,), 0, 500000)
    time_w = jax.random.normal(ks[9], (TIME,), dtype=jnp.float32)
    time_b = jax.random.normal(ks[10], (TIME,), dtype=jnp.float32) * 0.01
    w_ih = jax.random.normal(ks[11], (3 * MEM, IN_DIM), dtype=jnp.float32) / np.sqrt(IN_DIM)
    w_hh = jax.random.normal(ks[12], (3 * MEM, MEM), dtype=jnp.float32) / np.sqrt(MEM)
    b_ih = jnp.zeros((3 * MEM,), jnp.float32)
    b_hh = jnp.zeros((3 * MEM,), jnp.float32)
    return {"n_id": n_id, "dst_s": dst_s, "dst_d": dst_d, "t_s": t_s, "t_d": t_d,
            "raw_msg_s": raw_msg_s, "raw_msg_d": raw_msg_d, "memory": memory,
            "last_update": last_update, "time_w": time_w, "time_b": time_b,
            "w_ih": w_ih, "w_hh": w_hh, "b_ih": b_ih, "b_hh": b_hh}


def reference(n_id, dst_s, dst_d, t_s, t_d, raw_msg_s, raw_msg_d, memory,
              last_update, time_w, time_b, w_ih, w_hh, b_ih, b_hh):
    # Training-path forward: _get_updated_memory(n_id) with one stored message
    # per node in each of the src/dst message stores (IdentityMessage + MeanAggregator).
    Bn = n_id.shape[0]

    def time_enc(t_rel):
        # TimeEncoder: cos(Linear(1 -> time_dim)(t))
        return jnp.cos(t_rel[:, None] * time_w[None, :] + time_b[None, :])

    # _compute_msg for the source store (messages keyed by src == n_id)
    t_rel_s = (t_s - last_update[n_id]).astype(jnp.float32)
    enc_s = time_enc(t_rel_s)
    msg_s = jnp.concatenate([memory[n_id], memory[dst_s], raw_msg_s, enc_s], axis=-1)

    # _compute_msg for the destination store
    t_rel_d = (t_d - last_update[n_id]).astype(jnp.float32)
    enc_d = time_enc(t_rel_d)
    msg_d = jnp.concatenate([memory[n_id], memory[dst_d], raw_msg_d, enc_d], axis=-1)

    # Aggregate messages to the same destination (mean aggregator via scatter-add)
    msg = jnp.concatenate([msg_s, msg_d], axis=0)
    idx_local = jnp.concatenate([jnp.arange(Bn), jnp.arange(Bn)], axis=0)
    sums = jax.ops.segment_sum(msg, idx_local, num_segments=Bn)
    counts = jax.ops.segment_sum(jnp.ones((2 * Bn,), jnp.float32), idx_local, num_segments=Bn)
    aggr = sums / jnp.maximum(counts, 1.0)[:, None]

    # GRUCell memory update
    h = memory[n_id]
    gi = aggr @ w_ih.T + b_ih
    gh = h @ w_hh.T + b_hh
    i_r, i_z, i_n = jnp.split(gi, 3, axis=-1)
    h_r, h_z, h_n = jnp.split(gh, 3, axis=-1)
    r = jax.nn.sigmoid(i_r + h_r)
    z = jax.nn.sigmoid(i_z + h_z)
    n = jnp.tanh(i_n + r * h_n)
    new_memory = (1.0 - z) * n + z * h

    # last_update: scatter-max of event times into full table, then gather n_id
    t_all = jnp.concatenate([t_s, t_d], axis=0)
    idx_global = jnp.concatenate([n_id, n_id], axis=0)
    lu_full = jnp.zeros((NUM_NODES,), t_all.dtype).at[idx_global].max(t_all)
    new_last_update = lu_full[n_id]

    return (new_memory, new_last_update)

if __name__ == "__main__":
    import jax
    _d = setup_inputs()
    print(jax.jit(kernel)(*tuple(_d.values())))

</pallas_src>

<mosaic_0001>
#map = affine_map<(d0, d1) -> (0)>
module attributes {stable_mosaic.version = 14 : i64} {
  func.func @_sc_lookup(%arg0: i32, %arg1: i32, %arg2: memref<100352xi32, #tpu.memory_space<hbm>>, %arg3: memref<16384xi32, #tpu.memory_space<hbm>>, %arg4: memref<16384xi32, #tpu.memory_space<hbm>>, %arg5: memref<512xi32, #tpu.memory_space<vmem>>, %arg6: memref<512xi32, #tpu.memory_space<vmem>>, %arg7: memref<!tpu.dma_semaphore, #tpu.memory_space<semaphore_mem>>) attributes {dimension_semantics = [#tpu.dimension_semantics<core_parallel>, #tpu.dimension_semantics<subcore_parallel>], iteration_bounds = array<i64: 2, 16>, scalar_prefetch = 0 : i64, scratch_operands = 3 : i64, tpu.core_type = #tpu.core_type<sc_vector_subcore>, window_params = [{transform_indices = #map}, {transform_indices = #map}, {transform_indices = #map}]} {
    %mul3A = arith.constant 2 : i32
    %mul3A_0 = arith.muli %arg1, %mul3A : i32
    %add3A = arith.addi %mul3A_0, %arg0 : i32
    %mul3A_1 = arith.constant 512 : i32
    %mul3A_2 = arith.muli %add3A, %mul3A_1 : i32
    "tpu.region"() ({
      %run_scoped3A = tpu.sem_alloc : memref<!tpu.dma_semaphore, #tpu.memory_space<semaphore_mem>>
      %dma_start3A_49 = tpu.memref_slice %arg3[%mul3A_2] : memref<16384xi32, #tpu.memory_space<hbm>> -> memref<512xi32, #tpu.memory_space<hbm>>
      %dma_start3A_50 = tpu.memref_slice %arg3[%mul3A_2] : memref<16384xi32, #tpu.memory_space<hbm>> -> memref<512xi32, #tpu.memory_space<hbm>>
      tpu.enqueue_dma source(%dma_start3A_50 : memref<512xi32, #tpu.memory_space<hbm>>) target(%arg5 : memref<512xi32, #tpu.memory_space<vmem>>) target_semaphore(%run_scoped3A : memref<!tpu.dma_semaphore, #tpu.memory_space<semaphore_mem>>)
      %dma_wait3A_51 = tpu.memref_slice %arg3[%mul3A_2] : memref<16384xi32, #tpu.memory_space<hbm>> -> memref<512xi32, #tpu.memory_space<hbm>>
      %dma_wait3A_52 = tpu.memref_slice %arg3[%mul3A_2] : memref<16384xi32, #tpu.memory_space<hbm>> -> memref<512xi32, #tpu.memory_space<hbm>>
      tpu.wait_dma2 semaphore(%run_scoped3A : memref<!tpu.dma_semaphore, #tpu.memory_space<semaphore_mem>>) src(%dma_wait3A_52 : memref<512xi32, #tpu.memory_space<hbm>>) dst(%arg5 : memref<512xi32, #tpu.memory_space<vmem>>)
      tpu.yield
    }) : () -> ()
    %dma_start3A = arith.constant 0 : i32
    %dma_start3A_3 = tpu.memref_slice %arg6[%dma_start3A] : memref<512xi32, #tpu.memory_space<vmem>> -> memref<128xi32, #tpu.memory_space<vmem>>
    %dma_start3A_4 = arith.constant 0 : i32
    %dma_start3A_5 = tpu.memref_slice %arg5[%dma_start3A_4] : memref<512xi32, #tpu.memory_space<vmem>> -> memref<128xi32, #tpu.memory_space<vmem>>
    %dma_start3A_6 = arith.constant 0 : i32
    %dma_start3A_7 = tpu.memref_slice %arg2[%dma_start3A_6] : memref<100352xi32, #tpu.memory_space<hbm>> -> memref<100352xi32, #tpu.memory_space<hbm>>
    tpu.enqueue_indirect_dma source(%dma_start3A_7 : memref<100352xi32, #tpu.memory_space<hbm>>) target(%dma_start3A_3 : memref<128xi32, #tpu.memory_space<vmem>>) offsets(%dma_start3A_5 : memref<128xi32, #tpu.memory_space<vmem>>) semaphore(%arg7 : memref<!tpu.dma_semaphore, #tpu.memory_space<semaphore_mem>>)
    %dma_start3A_8 = arith.constant 128 : i32
    %dma_start3A_9 = tpu.memref_slice %arg6[%dma_start3A_8] : memref<512xi32, #tpu.memory_space<vmem>> -> memref<128xi32, #tpu.memory_space<vmem>>
    %dma_start3A_10 = arith.constant 128 : i32
    %dma_start3A_11 = tpu.memref_slice %arg5[%dma_start3A_10] : memref<512xi32, #tpu.memory_space<vmem>> -> memref<128xi32, #tpu.memory_space<vmem>>
    %dma_start3A_12 = arith.constant 0 : i32
    %dma_start3A_13 = tpu.memref_slice %arg2[%dma_start3A_12] : memref<100352xi32, #tpu.memory_space<hbm>> -> memref<100352xi32, #tpu.memory_space<hbm>>
    tpu.enqueue_indirect_dma source(%dma_start3A_13 : memref<100352xi32, #tpu.memory_space<hbm>>) target(%dma_start3A_9 : memref<128xi32, #tpu.memory_space<vmem>>) offsets(%dma_start3A_11 : memref<128xi32, #tpu.memory_space<vmem>>) semaphore(%arg7 : memref<!tpu.dma_semaphore, #tpu.memory_space<semaphore_mem>>)
    %dma_start3A_14 = arith.constant 256 : i32
    %dma_start3A_15 = tpu.memref_slice %arg6[%dma_start3A_14] : memref<512xi32, #tpu.memory_space<vmem>> -> memref<128xi32, #tpu.memory_space<vmem>>
    %dma_start3A_16 = arith.constant 256 : i32
    %dma_start3A_17 = tpu.memref_slice %arg5[%dma_start3A_16] : memref<512xi32, #tpu.memory_space<vmem>> -> memref<128xi32, #tpu.memory_space<vmem>>
    %dma_start3A_18 = arith.constant 0 : i32
    %dma_start3A_19 = tpu.memref_slice %arg2[%dma_start3A_18] : memref<100352xi32, #tpu.memory_space<hbm>> -> memref<100352xi32, #tpu.memory_space<hbm>>
    tpu.enqueue_indirect_dma source(%dma_start3A_19 : memref<100352xi32, #tpu.memory_space<hbm>>) target(%dma_start3A_15 : memref<128xi32, #tpu.memory_space<vmem>>) offsets(%dma_start3A_17 : memref<128xi32, #tpu.memory_space<vmem>>) semaphore(%arg7 : memref<!tpu.dma_semaphore, #tpu.memory_space<semaphore_mem>>)
    %dma_start3A_20 = arith.constant 384 : i32
    %dma_start3A_21 = tpu.memref_slice %arg6[%dma_start3A_20] : memref<512xi32, #tpu.memory_space<vmem>> -> memref<128xi32, #tpu.memory_space<vmem>>
    %dma_start3A_22 = arith.constant 384 : i32
    %dma_start3A_23 = tpu.memref_slice %arg5[%dma_start3A_22] : memref<512xi32, #tpu.memory_space<vmem>> -> memref<128xi32, #tpu.memory_space<vmem>>
    %dma_start3A_24 = arith.constant 0 : i32
    %dma_start3A_25 = tpu.memref_slice %arg2[%dma_start3A_24] : memref<100352xi32, #tpu.memory_space<hbm>> -> memref<100352xi32, #tpu.memory_space<hbm>>
    tpu.enqueue_indirect_dma source(%dma_start3A_25 : memref<100352xi32, #tpu.memory_space<hbm>>) target(%dma_start3A_21 : memref<128xi32, #tpu.memory_space<vmem>>) offsets(%dma_start3A_23 : memref<128xi32, #tpu.memory_space<vmem>>) semaphore(%arg7 : memref<!tpu.dma_semaphore, #tpu.memory_space<semaphore_mem>>)
    %dma_wait3A = arith.constant 0 : i32
    %dma_wait3A_26 = tpu.memref_slice %arg6[%dma_wait3A] : memref<512xi32, #tpu.memory_space<vmem>> -> memref<128xi32, #tpu.memory_space<vmem>>
    %dma_wait3A_27 = arith.constant 0 : i32
    %dma_wait3A_28 = tpu.memref_slice %arg5[%dma_wait3A_27] : memref<512xi32, #tpu.memory_space<vmem>> -> memref<128xi32, #tpu.memory_space<vmem>>
    %dma_wait3A_29 = arith.constant 0 : i32
    %dma_wait3A_30 = tpu.memref_slice %arg2[%dma_wait3A_29] : memref<100352xi32, #tpu.memory_space<hbm>> -> memref<100352xi32, #tpu.memory_space<hbm>>
    tpu.wait_indirect_dma semaphore(%arg7 : memref<!tpu.dma_semaphore, #tpu.memory_space<semaphore_mem>>) src(%dma_wait3A_30 : memref<100352xi32, #tpu.memory_space<hbm>>) dst(%dma_wait3A_26 : memref<128xi32, #tpu.memory_space<vmem>>)
    %dma_wait3A_31 = arith.constant 128 : i32
    %dma_wait3A_32 = tpu.memref_slice %arg6[%dma_wait3A_31] : memref<512xi32, #tpu.memory_space<vmem>> -> memref<128xi32, #tpu.memory_space<vmem>>
    %dma_wait3A_33 = arith.constant 128 : i32
    %dma_wait3A_34 = tpu.memref_slice %arg5[%dma_wait3A_33] : memref<512xi32, #tpu.memory_space<vmem>> -> memref<128xi32, #tpu.memory_space<vmem>>
    %dma_wait3A_35 = arith.constant 0 : i32
    %dma_wait3A_36 = tpu.memref_slice %arg2[%dma_wait3A_35] : memref<100352xi32, #tpu.memory_space<hbm>> -> memref<100352xi32, #tpu.memory_space<hbm>>
    tpu.wait_indirect_dma semaphore(%arg7 : memref<!tpu.dma_semaphore, #tpu.memory_space<semaphore_mem>>) src(%dma_wait3A_36 : memref<100352xi32, #tpu.memory_space<hbm>>) dst(%dma_wait3A_32 : memref<128xi32, #tpu.memory_space<vmem>>)
    %dma_wait3A_37 = arith.constant 256 : i32
    %dma_wait3A_38 = tpu.memref_slice %arg6[%dma_wait3A_37] : memref<512xi32, #tpu.memory_space<vmem>> -> memref<128xi32, #tpu.memory_space<vmem>>
    %dma_wait3A_39 = arith.constant 256 : i32
    %dma_wait3A_40 = tpu.memref_slice %arg5[%dma_wait3A_39] : memref<512xi32, #tpu.memory_space<vmem>> -> memref<128xi32, #tpu.memory_space<vmem>>
    %dma_wait3A_41 = arith.constant 0 : i32
    %dma_wait3A_42 = tpu.memref_slice %arg2[%dma_wait3A_41] : memref<100352xi32, #tpu.memory_space<hbm>> -> memref<100352xi32, #tpu.memory_space<hbm>>
    tpu.wait_indirect_dma semaphore(%arg7 : memref<!tpu.dma_semaphore, #tpu.memory_space<semaphore_mem>>) src(%dma_wait3A_42 : memref<100352xi32, #tpu.memory_space<hbm>>) dst(%dma_wait3A_38 : memref<128xi32, #tpu.memory_space<vmem>>)
    %dma_wait3A_43 = arith.constant 384 : i32
    %dma_wait3A_44 = tpu.memref_slice %arg6[%dma_wait3A_43] : memref<512xi32, #tpu.memory_space<vmem>> -> memref<128xi32, #tpu.memory_space<vmem>>
    %dma_wait3A_45 = arith.constant 384 : i32
    %dma_wait3A_46 = tpu.memref_slice %arg5[%dma_wait3A_45] : memref<512xi32, #tpu.memory_space<vmem>> -> memref<128xi32, #tpu.memory_space<vmem>>
    %dma_wait3A_47 = arith.constant 0 : i32
    %dma_wait3A_48 = tpu.memref_slice %arg2[%dma_wait3A_47] : memref<100352xi32, #tpu.memory_space<hbm>> -> memref<100352xi32, #tpu.memory_space<hbm>>
    tpu.wait_indirect_dma semaphore(%arg7 : memref<!tpu.dma_semaphore, #tpu.memory_space<semaphore_mem>>) src(%dma_wait3A_48 : memref<100352xi32, #tpu.memory_space<hbm>>) dst(%dma_wait3A_44 : memref<128xi32, #tpu.memory_space<vmem>>)
    "tpu.region"() ({
      %run_scoped3A = tpu.sem_alloc : memref<!tpu.dma_semaphore, #tpu.memory_space<semaphore_mem>>
      %dma_start3A_49 = tpu.memref_slice %arg4[%mul3A_2] : memref<16384xi32, #tpu.memory_space<hbm>> -> memref<512xi32, #tpu.memory_space<hbm>>
      %dma_start3A_50 = tpu.memref_slice %arg4[%mul3A_2] : memref<16384xi32, #tpu.memory_space<hbm>> -> memref<512xi32, #tpu.memory_space<hbm>>
      tpu.enqueue_dma source(%arg6 : memref<512xi32, #tpu.memory_space<vmem>>) target(%dma_start3A_50 : memref<512xi32, #tpu.memory_space<hbm>>) target_semaphore(%run_scoped3A : memref<!tpu.dma_semaphore, #tpu.memory_space<semaphore_mem>>)
      %dma_wait3A_51 = tpu.memref_slice %arg4[%mul3A_2] : memref<16384xi32, #tpu.memory_space<hbm>> -> memref<512xi32, #tpu.memory_space<hbm>>
      %dma_wait3A_52 = tpu.memref_slice %arg4[%mul3A_2] : memref<16384xi32, #tpu.memory_space<hbm>> -> memref<512xi32, #tpu.memory_space<hbm>>
      tpu.wait_dma2 semaphore(%run_scoped3A : memref<!tpu.dma_semaphore, #tpu.memory_space<semaphore_mem>>) src(%arg6 : memref<512xi32, #tpu.memory_space<vmem>>) dst(%dma_wait3A_52 : memref<512xi32, #tpu.memory_space<hbm>>)
      tpu.yield
    }) : () -> ()
    return
  }
}

#map = affine_map<(d0, d1) -> (0)>
#map1 = affine_map<(d0, d1) -> (0, 0)>
module attributes {stable_mosaic.version = 14 : i64} {
  func.func @_sc_scatmax(%arg0: i32, %arg1: i32, %arg2: memref<16384xi32, #tpu.memory_space<hbm>>, %arg3: memref<16384xi32, #tpu.memory_space<hbm>>, %arg4: memref<16384xi32, #tpu.memory_space<hbm>>, %arg5: memref<16384x128xf32, #tpu.memory_space<hbm>>, %arg6: memref<100352xi32, #tpu.memory_space<hbm>>, %arg7: memref<16384xi32, #tpu.memory_space<vmem>>, %arg8: memref<16384xi32, #tpu.memory_space<vmem>>, %arg9: memref<16384xi32, #tpu.memory_space<vmem>>, %arg10: memref<3136xi32, #tpu.memory_space<vmem>>) attributes {dimension_semantics = [#tpu.dimension_semantics<core_parallel>, #tpu.dimension_semantics<subcore_parallel>], iteration_bounds = array<i64: 2, 16>, scalar_prefetch = 0 : i64, scratch_operands = 4 : i64, tpu.core_type = #tpu.core_type<sc_vector_subcore>, window_params = [{transform_indices = #map}, {transform_indices = #map}, {transform_indices = #map}, {transform_indices = #map1}, {transform_indices = #map}]} {
    %mul3A = arith.constant 2 : i32
    %mul3A_0 = arith.muli %arg1, %mul3A : i32
    %add3A = arith.addi %mul3A_0, %arg0 : i32
    "tpu.region"() ({
      %run_scoped3A = tpu.sem_alloc : memref<!tpu.dma_semaphore, #tpu.memory_space<semaphore_mem>>
      tpu.enqueue_dma source(%arg2 : memref<16384xi32, #tpu.memory_space<hbm>>) target(%arg7 : memref<16384xi32, #tpu.memory_space<vmem>>) target_semaphore(%run_scoped3A : memref<!tpu.dma_semaphore, #tpu.memory_space<semaphore_mem>>)
      tpu.wait_dma2 semaphore(%run_scoped3A : memref<!tpu.dma_semaphore, #tpu.memory_space<semaphore_mem>>) src(%arg2 : memref<16384xi32, #tpu.memory_space<hbm>>) dst(%arg7 : memref<16384xi32, #tpu.memory_space<vmem>>)
      tpu.yield
    }) : () -> ()
    "tpu.region"() ({
      %run_scoped3A = tpu.sem_alloc : memref<!tpu.dma_semaphore, #tpu.memory_space<semaphore_mem>>
      tpu.enqueue_dma source(%arg3 : memref<16384xi32, #tpu.memory_space<hbm>>) target(%arg8 : memref<16384xi32, #tpu.memory_space<vmem>>) target_semaphore(%run_scoped3A : memref<!tpu.dma_semaphore, #tpu.memory_space<semaphore_mem>>)
      tpu.wait_dma2 semaphore(%run_scoped3A : memref<!tpu.dma_semaphore, #tpu.memory_space<semaphore_mem>>) src(%arg3 : memref<16384xi32, #tpu.memory_space<hbm>>) dst(%arg8 : memref<16384xi32, #tpu.memory_space<vmem>>)
      tpu.yield
    }) : () -> ()
    "tpu.region"() ({
      %run_scoped3A = tpu.sem_alloc : memref<!tpu.dma_semaphore, #tpu.memory_space<semaphore_mem>>
      tpu.enqueue_dma source(%arg4 : memref<16384xi32, #tpu.memory_space<hbm>>) target(%arg9 : memref<16384xi32, #tpu.memory_space<vmem>>) target_semaphore(%run_scoped3A : memref<!tpu.dma_semaphore, #tpu.memory_space<semaphore_mem>>)
      tpu.wait_dma2 semaphore(%run_scoped3A : memref<!tpu.dma_semaphore, #tpu.memory_space<semaphore_mem>>) src(%arg4 : memref<16384xi32, #tpu.memory_space<hbm>>) dst(%arg9 : memref<16384xi32, #tpu.memory_space<vmem>>)
      tpu.yield
    }) : () -> ()
    %scan3A = arith.constant 0 : i32
    %scan3A_1 = arith.constant 0 : i32
    %scan3A_2 = arith.constant 196 : i32
    %scan3A_3 = arith.addi %scan3A_1, %scan3A_2 : i32
    %scan3A_4 = arith.constant 1 : i32
    scf.for %scan3A_19 = %scan3A_1 to %scan3A_3 step %scan3A_4  : i32 {
      %broadcast_in_dim3A = arith.constant 0 : i32
      %broadcast_in_dim3A_20 = vector.broadcast %broadcast_in_dim3A : i32 to vector<16xi32>
      %mul3A_21 = arith.constant 16 : i32
      %mul3A_22 = arith.muli %scan3A_19, %mul3A_21 : i32
      %swap3A = arith.index_cast %mul3A_22 : i32 to index
      %swap3A_23 = tpu.vector_load %arg10[%swap3A] {strides = array<i32>} : memref<3136xi32, #tpu.memory_space<vmem>>, vector<16xi32>,
      tpu.vector_store %arg10[%swap3A], %broadcast_in_dim3A_20 {strides = array<i32>} : memref<3136xi32, #tpu.memory_space<vmem>>, vector<16xi32>,
    }
    %scan3A_5 = arith.constant 196 : i32
    %mul3A_6 = arith.constant 3136 : i32
    %mul3A_7 = arith.muli %add3A, %mul3A_6 : i32
    %iota3A = tpu.iota {dimensions = array<i32: 0>} : vector<16xi32>
    %add3A_8 = arith.constant 15 : i32
    %add3A_9 = vector.broadcast %add3A_8 : i32 to vector<16xi32>
    %add3A_10 = arith.addi %iota3A, %add3A_9 : vector<16xi32>
    %and3A = arith.constant 15 : i32
    %and3A_11 = vector.broadcast %and3A : i32 to vector<16xi32>
    %and3A_12 = arith.andi %add3A_10, %and3A_11 : vector<16xi32>
    %scan3A_13 = arith.constant 0 : i32
    %scan3A_14 = arith.constant 0 : i32
    %scan3A_15 = arith.constant 1024 : i32
    %scan3A_16 = arith.addi %scan3A_14, %scan3A_15 : i32
    %scan3A_17 = arith.constant 1 : i32
    scf.for %scan3A_19 = %scan3A_14 to %scan3A_16 step %scan3A_17  : i32 {
      %mul3A_20 = arith.constant 16 : i32
      %mul3A_21 = arith.muli %scan3A_19, %mul3A_20 : i32
      %get3A = arith.index_cast %mul3A_21 : i32 to index
      %get3A_22 = tpu.vector_load %arg7[%get3A] {strides = array<i32>} : memref<16384xi32, #tpu.memory_space<vmem>>, vector<16xi32>,
      %mul3A_23 = arith.constant 16 : i32
      %mul3A_24 = arith.muli %scan3A_19, %mul3A_23 : i32
      %get3A_25 = arith.index_cast %mul3A_24 : i32 to index
      %get3A_26 = tpu.vector_load %arg8[%get3A_25] {strides = array<i32>} : memref<16384xi32, #tpu.memory_space<vmem>>, vector<16xi32>,
      %mul3A_27 = arith.constant 16 : i32
      %mul3A_28 = arith.muli %scan3A_19, %mul3A_27 : i32
      %get3A_29 = arith.index_cast %mul3A_28 : i32 to index
      %get3A_30 = tpu.vector_load %arg9[%get3A_29] {strides = array<i32>} : memref<16384xi32, #tpu.memory_space<vmem>>, vector<16xi32>,
      %max3A = arith.maxsi %get3A_26, %get3A_30 : vector<16xi32>
      %sub3A = vector.broadcast %mul3A_7 : i32 to vector<16xi32>
      %sub3A_31 = arith.subi %get3A_22, %sub3A : vector<16xi32>
      %ge3A = arith.constant 0 : i32
      %ge3A_32 = vector.broadcast %ge3A : i32 to vector<16xi32>
      %ge3A_33 = arith.cmpi sge, %sub3A_31, %ge3A_32 : vector<16xi32>
      %lt3A = arith.constant 3136 : i32
      %lt3A_34 = vector.broadcast %lt3A : i32 to vector<16xi32>
      %lt3A_35 = arith.cmpi slt, %sub3A_31, %lt3A_34 : vector<16xi32>
      %and3A_36 = arith.andi %ge3A_33, %lt3A_35 : vector<16xi1>
      %jit3A = arith.constant 4095 : i32
      %broadcast_in_dim3A = vector.broadcast %jit3A : i32 to vector<16xi32>
      %select_n3A = arith.select %and3A_36, %sub3A_31, %broadcast_in_dim3A : vector<16xi1>, vector<16xi32>
      %shift_left3A = arith.constant 20 : i32
      %shift_left3A_37 = vector.broadcast %shift_left3A : i32 to vector<16xi32>
      %shift_left3A_38 = arith.shli %select_n3A, %shift_left3A_37 : vector<16xi32>
      %or3A = arith.ori %shift_left3A_38, %max3A : vector<16xi32>
      %masked_sort3A = arith.constant dense<true> : vector<16xi1>
      %masked_sort3A_39 = arith.constant -2147483648 : i32
      %masked_sort3A_40 = vector.broadcast %masked_sort3A_39 : i32 to vector<16xi32>
      %masked_sort3A_41 = arith.xori %or3A, %masked_sort3A_40 : vector<16xi32>
      %masked_sort3A_42, %masked_sort3A_43, %masked_sort3A_44 = tpu.sort %masked_sort3A_41, %or3A masked %masked_sort3A : (vector<16xi32>, vector<16xi32>, vector<16xi1>) -> (vector<16xi1>, vector<16xi32>, vector<16xi32>)
      %masked_sort3A_45 = arith.xori %masked_sort3A_43, %masked_sort3A_40 : vector<16xi32>
      %shift_right_logical3A = arith.constant 20 : i32
      %shift_right_logical3A_46 = vector.broadcast %shift_right_logical3A : i32 to vector<16xi32>
      %shift_right_logical3A_47 = arith.shrui %masked_sort3A_44, %shift_right_logical3A_46 : vector<16xi32>
      %and3A_48 = arith.constant 1048575 : i32
      %and3A_49 = vector.broadcast %and3A_48 : i32 to vector<16xi32>
      %and3A_50 = arith.andi %masked_sort3A_44, %and3A_49 : vector<16xi32>
      %masked_sort3A_51 = arith.constant dense<true> : vector<16xi1>
      %masked_sort3A_52 = arith.constant -2147483648 : i32
      %masked_sort3A_53 = vector.broadcast %masked_sort3A_52 : i32 to vector<16xi32>
      %masked_sort3A_54 = arith.xori %and3A_12, %masked_sort3A_53 : vector<16xi32>
      %masked_sort3A_55, %masked_sort3A_56, %masked_sort3A_57 = tpu.sort %masked_sort3A_54, %masked_sort3A_44 masked %masked_sort3A_51 : (vector<16xi32>, vector<16xi32>, vector<16xi1>) -> (vector<16xi1>, vector<16xi32>, vector<16xi32>)
      %masked_sort3A_58 = arith.xori %masked_sort3A_56, %masked_sort3A_53 : vector<16xi32>
      %shift_right_logical3A_59 = arith.constant 20 : i32
      %shift_right_logical3A_60 = vector.broadcast %shift_right_logical3A_59 : i32 to vector<16xi32>
      %shift_right_logical3A_61 = arith.shrui %masked_sort3A_57, %shift_right_logical3A_60 : vector<16xi32>
      %ne3A = arith.cmpi ne, %shift_right_logical3A_47, %shift_right_logical3A_61 : vector<16xi32>
      %eq3A = arith.constant 15 : i32
      %eq3A_62 = vector.broadcast %eq3A : i32 to vector<16xi32>
      %eq3A_63 = arith.cmpi eq, %iota3A, %eq3A_62 : vector<16xi32>
      %or3A_64 = arith.ori %ne3A, %eq3A_63 : vector<16xi1>
      %ne3A_65 = arith.constant 4095 : i32
      %ne3A_66 = vector.broadcast %ne3A_65 : i32 to vector<16xi32>
      %ne3A_67 = arith.cmpi ne, %shift_right_logical3A_47, %ne3A_66 : vector<16xi32>
      %and3A_68 = arith.andi %or3A_64, %ne3A_67 : vector<16xi1>
      %min3A = arith.constant 3135 : i32
      %min3A_69 = vector.broadcast %min3A : i32 to vector<16xi32>
      %min3A_70 = arith.minsi %shift_right_logical3A_47, %min3A_69 : vector<16xi32>
      %gather3A = tpu.vector_load_idx %arg10[%min3A_70] : memref<3136xi32, #tpu.memory_space<vmem>>[vector<16xi32>], vector<16xi32>,
      %max3A_71 = arith.maxsi %gather3A, %and3A_50 : vector<16xi32>
      tpu.vector_store_idx %arg10[%min3A_70], %max3A_71 masked %and3A_68 : memref<3136xi32, #tpu.memory_space<vmem>>[vector<16xi32>], vector<16xi32>, vector<16xi1>
    }
    %scan3A_18 = arith.constant 1024 : i32
    "tpu.region"() ({
      %run_scoped3A = tpu.sem_alloc : memref<!tpu.dma_semaphore, #tpu.memory_space<semaphore_mem>>
      %dma_start3A = tpu.memref_slice %arg6[%mul3A_7] : memref<100352xi32, #tpu.memory_space<hbm>> -> memref<3136xi32, #tpu.memory_space<hbm>>
      %dma_start3A_19 = tpu.memref_slice %arg6[%mul3A_7] : memref<100352xi32, #tpu.memory_space<hbm>> -> memref<3136xi32, #tpu.memory_space<hbm>>
      tpu.enqueue_dma source(%arg10 : memref<3136xi32, #tpu.memory_space<vmem>>) target(%dma_start3A_19 : memref<3136xi32, #tpu.memory_space<hbm>>) target_semaphore(%run_scoped3A : memref<!tpu.dma_semaphore, #tpu.memory_space<semaphore_mem>>)
      %dma_wait3A = tpu.memref_slice %arg6[%mul3A_7] : memref<100352xi32, #tpu.memory_space<hbm>> -> memref<3136xi32, #tpu.memory_space<hbm>>
      %dma_wait3A_20 = tpu.memref_slice %arg6[%mul3A_7] : memref<100352xi32, #tpu.memory_space<hbm>> -> memref<3136xi32, #tpu.memory_space<hbm>>
      tpu.wait_dma2 semaphore(%run_scoped3A : memref<!tpu.dma_semaphore, #tpu.memory_space<semaphore_mem>>) src(%arg10 : memref<3136xi32, #tpu.memory_space<vmem>>) dst(%dma_wait3A_20 : memref<3136xi32, #tpu.memory_space<hbm>>)
      tpu.yield
    }) : () -> ()
    return
  }
}

#map = affine_map<(d0, d1) -> (0, 0)>
#map1 = affine_map<(d0, d1) -> (0)>
module attributes {stable_mosaic.version = 14 : i64} {
  func.func @_sc_gather(%arg0: i32, %arg1: i32, %arg2: memref<100000x128xf32, #tpu.memory_space<hbm>>, %arg3: memref<100000xi32, #tpu.memory_space<hbm>>, %arg4: memref<16384xi32, #tpu.memory_space<hbm>>, %arg5: memref<16384xi32, #tpu.memory_space<hbm>>, %arg6: memref<16384xi32, #tpu.memory_space<hbm>>, %arg7: memref<16384x128xf32, #tpu.memory_space<hbm>>, %arg8: memref<16384x128xf32, #tpu.memory_space<hbm>>, %arg9: memref<16384x128xf32, #tpu.memory_space<hbm>>, %arg10: memref<16384xi32, #tpu.memory_space<hbm>>, %arg11: memref<512xi32, #tpu.memory_space<vmem>>, %arg12: memref<512xi32, #tpu.memory_space<vmem>>, %arg13: memref<512xi32, #tpu.memory_space<vmem>>, %arg14: memref<512xi32, #tpu.memory_space<vmem>>, %arg15: memref<512x128xf32, #tpu.memory_space<vmem>>, %arg16: memref<!tpu.dma_semaphore, #tpu.memory_space<semaphore_mem>>) attributes {dimension_semantics = [#tpu.dimension_semantics<core_parallel>, #tpu.dimension_semantics<subcore_parallel>], iteration_bounds = array<i64: 2, 16>, scalar_prefetch = 0 : i64, scratch_operands = 6 : i64, tpu.core_type = #tpu.core_type<sc_vector_subcore>, window_params = [{transform_indices = #map}, {transform_indices = #map1}, {transform_indices = #map1}, {transform_indices = #map1}, {transform_indices = #map1}, {transform_indices = #map}, {transform_indices = #map}, {transform_indices = #map}, {transform_indices = #map1}]} {
    %mul3A = arith.constant 2 : i32
    %mul3A_0 = arith.muli %arg1, %mul3A : i32
    %add3A = arith.addi %mul3A_0, %arg0 : i32
    %mul3A_1 = arith.constant 512 : i32
    %mul3A_2 = arith.muli %add3A, %mul3A_1 : i32
    "tpu.region"() ({
      %run_scoped3A = tpu.sem_alloc : memref<!tpu.dma_semaphore, #tpu.memory_space<semaphore_mem>>
      %dma_start3A_241 = tpu.memref_slice %arg4[%mul3A_2] : memref<16384xi32, #tpu.memory_space<hbm>> -> memref<512xi32, #tpu.memory_space<hbm>>
      %dma_start3A_242 = tpu.memref_slice %arg4[%mul3A_2] : memref<16384xi32, #tpu.memory_space<hbm>> -> memref<512xi32, #tpu.memory_space<hbm>>
      tpu.enqueue_dma source(%dma_start3A_242 : memref<512xi32, #tpu.memory_space<hbm>>) target(%arg11 : memref<512xi32, #tpu.memory_space<vmem>>) target_semaphore(%run_scoped3A : memref<!tpu.dma_semaphore, #tpu.memory_space<semaphore_mem>>)
      %dma_wait3A_243 = tpu.memref_slice %arg4[%mul3A_2] : memref<16384xi32, #tpu.memory_space<hbm>> -> memref<512xi32, #tpu.memory_space<hbm>>
      %dma_wait3A_244 = tpu.memref_slice %arg4[%mul3A_2] : memref<16384xi32, #tpu.memory_space<hbm>> -> memref<512xi32, #tpu.memory_space<hbm>>
      tpu.wait_dma2 semaphore(%run_scoped3A : memref<!tpu.dma_semaphore, #tpu.memory_space<semaphore_mem>>) src(%dma_wait3A_244 : memref<512xi32, #tpu.memory_space<hbm>>) dst(%arg11 : memref<512xi32, #tpu.memory_space<vmem>>)
      tpu.yield
    }) : () -> ()
    "tpu.region"() ({
      %run_scoped3A = tpu.sem_alloc : memref<!tpu.dma_semaphore, #tpu.memory_space<semaphore_mem>>
      %dma_start3A_241 = tpu.memref_slice %arg5[%mul3A_2] : memref<16384xi32, #tpu.memory_space<hbm>> -> memref<512xi32, #tpu.memory_space<hbm>>
      %dma_start3A_242 = tpu.memref_slice %arg5[%mul3A_2] : memref<16384xi32, #tpu.memory_space<hbm>> -> memref<512xi32, #tpu.memory_space<hbm>>
      tpu.enqueue_dma source(%dma_start3A_242 : memref<512xi32, #tpu.memory_space<hbm>>) target(%arg12 : memref<512xi32, #tpu.memory_space<vmem>>) target_semaphore(%run_scoped3A : memref<!tpu.dma_semaphore, #tpu.memory_space<semaphore_mem>>)
      %dma_wait3A_243 = tpu.memref_slice %arg5[%mul3A_2] : memref<16384xi32, #tpu.memory_space<hbm>> -> memref<512xi32, #tpu.memory_space<hbm>>
      %dma_wait3A_244 = tpu.memref_slice %arg5[%mul3A_2] : memref<16384xi32, #tpu.memory_space<hbm>> -> memref<512xi32, #tpu.memory_space<hbm>>
      tpu.wait_dma2 semaphore(%run_scoped3A : memref<!tpu.dma_semaphore, #tpu.memory_space<semaphore_mem>>) src(%dma_wait3A_244 : memref<512xi32, #tpu.memory_space<hbm>>) dst(%arg12 : memref<512xi32, #tpu.memory_space<vmem>>)
      tpu.yield
    }) : () -> ()
    "tpu.region"() ({
      %run_scoped3A = tpu.sem_alloc : memref<!tpu.dma_semaphore, #tpu.memory_space<semaphore_mem>>
      %dma_start3A_241 = tpu.memref_slice %arg6[%mul3A_2] : memref<16384xi32, #tpu.memory_space<hbm>> -> memref<512xi32, #tpu.memory_space<hbm>>
      %dma_start3A_242 = tpu.memref_slice %arg6[%mul3A_2] : memref<16384xi32, #tpu.memory_space<hbm>> -> memref<512xi32, #tpu.memory_space<hbm>>
      tpu.enqueue_dma source(%dma_start3A_242 : memref<512xi32, #tpu.memory_space<hbm>>) target(%arg13 : memref<512xi32, #tpu.memory_space<vmem>>) target_semaphore(%run_scoped3A : memref<!tpu.dma_semaphore, #tpu.memory_space<semaphore_mem>>)
      %dma_wait3A_243 = tpu.memref_slice %arg6[%mul3A_2] : memref<16384xi32, #tpu.memory_space<hbm>> -> memref<512xi32, #tpu.memory_space<hbm>>
      %dma_wait3A_244 = tpu.memref_slice %arg6[%mul3A_2] : memref<16384xi32, #tpu.memory_space<hbm>> -> memref<512xi32, #tpu.memory_space<hbm>>
      tpu.wait_dma2 semaphore(%run_scoped3A : memref<!tpu.dma_semaphore, #tpu.memory_space<semaphore_mem>>) src(%dma_wait3A_244 : memref<512xi32, #tpu.memory_space<hbm>>) dst(%arg13 : memref<512xi32, #tpu.memory_space<vmem>>)
      tpu.yield
    }) : () -> ()
    %dma_start3A = arith.constant 0 : i32
    %dma_start3A_3 = tpu.memref_slice %arg14[%dma_start3A] : memref<512xi32, #tpu.memory_space<vmem>> -> memref<128xi32, #tpu.memory_space<vmem>>
    %dma_start3A_4 = arith.constant 0 : i32
    %dma_start3A_5 = tpu.memref_slice %arg11[%dma_start3A_4] : memref<512xi32, #tpu.memory_space<vmem>> -> memref<128xi32, #tpu.memory_space<vmem>>
    %dma_start3A_6 = arith.constant 0 : i32
    %dma_start3A_7 = tpu.memref_slice %arg3[%dma_start3A_6] : memref<100000xi32, #tpu.memory_space<hbm>> -> memref<100000xi32, #tpu.memory_space<hbm>>
    tpu.enqueue_indirect_dma source(%dma_start3A_7 : memref<100000xi32, #tpu.memory_space<hbm>>) target(%dma_start3A_3 : memref<128xi32, #tpu.memory_space<vmem>>) offsets(%dma_start3A_5 : memref<128xi32, #tpu.memory_space<vmem>>) semaphore(%arg16 : memref<!tpu.dma_semaphore, #tpu.memory_space<semaphore_mem>>)
    %dma_start3A_8 = arith.constant 128 : i32
    %dma_start3A_9 = tpu.memref_slice %arg14[%dma_start3A_8] : memref<512xi32, #tpu.memory_space<vmem>> -> memref<128xi32, #tpu.memory_space<vmem>>
    %dma_start3A_10 = arith.constant 128 : i32
    %dma_start3A_11 = tpu.memref_slice %arg11[%dma_start3A_10] : memref<512xi32, #tpu.memory_space<vmem>> -> memref<128xi32, #tpu.memory_space<vmem>>
    %dma_start3A_12 = arith.constant 0 : i32
    %dma_start3A_13 = tpu.memref_slice %arg3[%dma_start3A_12] : memref<100000xi32, #tpu.memory_space<hbm>> -> memref<100000xi32, #tpu.memory_space<hbm>>
    tpu.enqueue_indirect_dma source(%dma_start3A_13 : memref<100000xi32, #tpu.memory_space<hbm>>) target(%dma_start3A_9 : memref<128xi32, #tpu.memory_space<vmem>>) offsets(%dma_start3A_11 : memref<128xi32, #tpu.memory_space<vmem>>) semaphore(%arg16 : memref<!tpu.dma_semaphore, #tpu.memory_space<semaphore_mem>>)
    %dma_start3A_14 = arith.constant 256 : i32
    %dma_start3A_15 = tpu.memref_slice %arg14[%dma_start3A_14] : memref<512xi32, #tpu.memory_space<vmem>> -> memref<128xi32, #tpu.memory_space<vmem>>
    %dma_start3A_16 = arith.constant 256 : i32
    %dma_start3A_17 = tpu.memref_slice %arg11[%dma_start3A_16] : memref<512xi32, #tpu.memory_space<vmem>> -> memref<128xi32, #tpu.memory_space<vmem>>
    %dma_start3A_18 = arith.constant 0 : i32
    %dma_start3A_19 = tpu.memref_slice %arg3[%dma_start3A_18] : memref<100000xi32, #tpu.memory_space<hbm>> -> memref<100000xi32, #tpu.memory_space<hbm>>
    tpu.enqueue_indirect_dma source(%dma_start3A_19 : memref<100000xi32, #tpu.memory_space<hbm>>) target(%dma_start3A_15 : memref<128xi32, #tpu.memory_space<vmem>>) offsets(%dma_start3A_17 : memref<128xi32, #tpu.memory_space<vmem>>) semaphore(%arg16 : memref<!tpu.dma_semaphore, #tpu.memory_space<semaphore_mem>>)
    %dma_start3A_20 = arith.constant 384 : i32
    %dma_start3A_21 = tpu.memref_slice %arg14[%dma_start3A_20] : memref<512xi32, #tpu.memory_space<vmem>> -> memref<128xi32, #tpu.memory_space<vmem>>
    %dma_start3A_22 = arith.constant 384 : i32
    %dma_start3A_23 = tpu.memref_slice %arg11[%dma_start3A_22] : memref<512xi32, #tpu.memory_space<vmem>> -> memref<128xi32, #tpu.memory_space<vmem>>
    %dma_start3A_24 = arith.constant 0 : i32
    %dma_start3A_25 = tpu.memref_slice %arg3[%dma_start3A_24] : memref<100000xi32, #tpu.memory_space<hbm>> -> memref<100000xi32, #tpu.memory_space<hbm>>
    tpu.enqueue_indirect_dma source(%dma_start3A_25 : memref<100000xi32, #tpu.memory_space<hbm>>) target(%dma_start3A_21 : memref<128xi32, #tpu.memory_space<vmem>>) offsets(%dma_start3A_23 : memref<128xi32, #tpu.memory_space<vmem>>) semaphore(%arg16 : memref<!tpu.dma_semaphore, #tpu.memory_space<semaphore_mem>>)
    %dma_wait3A = arith.constant 0 : i32
    %dma_wait3A_26 = tpu.memref_slice %arg14[%dma_wait3A] : memref<512xi32, #tpu.memory_space<vmem>> -> memref<128xi32, #tpu.memory_space<vmem>>
    %dma_wait3A_27 = arith.constant 0 : i32
    %dma_wait3A_28 = tpu.memref_slice %arg11[%dma_wait3A_27] : memref<512xi32, #tpu.memory_space<vmem>> -> memref<128xi32, #tpu.memory_space<vmem>>
    %dma_wait3A_29 = arith.constant 0 : i32
    %dma_wait3A_30 = tpu.memref_slice %arg3[%dma_wait3A_29] : memref<100000xi32, #tpu.memory_space<hbm>> -> memref<100000xi32, #tpu.memory_space<hbm>>
    tpu.wait_indirect_dma semaphore(%arg16 : memref<!tpu.dma_semaphore, #tpu.memory_space<semaphore_mem>>) src(%dma_wait3A_30 : memref<100000xi32, #tpu.memory_space<hbm>>) dst(%dma_wait3A_26 : memref<128xi32, #tpu.memory_space<vmem>>)
    %dma_wait3A_31 = arith.constant 128 : i32
    %dma_wait3A_32 = tpu.memref_slice %arg14[%dma_wait3A_31] : memref<512xi32, #tpu.memory_space<vmem>> -> memref<128xi32, #tpu.memory_space<vmem>>
    %dma_wait3A_33 = arith.constant 128 : i32
    %dma_wait3A_34 = tpu.memref_slice %arg11[%dma_wait3A_33] : memref<512xi32, #tpu.memory_space<vmem>> -> memref<128xi32, #tpu.memory_space<vmem>>
    %dma_wait3A_35 = arith.constant 0 : i32
    %dma_wait3A_36 = tpu.memref_slice %arg3[%dma_wait3A_35] : memref<100000xi32, #tpu.memory_space<hbm>> -> memref<100000xi32, #tpu.memory_space<hbm>>
    tpu.wait_indirect_dma semaphore(%arg16 : memref<!tpu.dma_semaphore, #tpu.memory_space<semaphore_mem>>) src(%dma_wait3A_36 : memref<100000xi32, #tpu.memory_space<hbm>>) dst(%dma_wait3A_32 : memref<128xi32, #tpu.memory_space<vmem>>)
    %dma_wait3A_37 = arith.constant 256 : i32
    %dma_wait3A_38 = tpu.memref_slice %arg14[%dma_wait3A_37] : memref<512xi32, #tpu.memory_space<vmem>> -> memref<128xi32, #tpu.memory_space<vmem>>
    %dma_wait3A_39 = arith.constant 256 : i32
    %dma_wait3A_40 = tpu.memref_slice %arg11[%dma_wait3A_39] : memref<512xi32, #tpu.memory_space<vmem>> -> memref<128xi32, #tpu.memory_space<vmem>>
    %dma_wait3A_41 = arith.constant 0 : i32
    %dma_wait3A_42 = tpu.memref_slice %arg3[%dma_wait3A_41] : memref<100000xi32, #tpu.memory_space<hbm>> -> memref<100000xi32, #tpu.memory_space<hbm>>
    tpu.wait_indirect_dma semaphore(%arg16 : memref<!tpu.dma_semaphore, #tpu.memory_space<semaphore_mem>>) src(%dma_wait3A_42 : memref<100000xi32, #tpu.memory_space<hbm>>) dst(%dma_wait3A_38 : memref<128xi32, #tpu.memory_space<vmem>>)
    %dma_wait3A_43 = arith.constant 384 : i32
    %dma_wait3A_44 = tpu.memref_slice %arg14[%dma_wait3A_43] : memref<512xi32, #tpu.memory_space<vmem>> -> memref<128xi32, #tpu.memory_space<vmem>>
    %dma_wait3A_45 = arith.constant 384 : i32
    %dma_wait3A_46 = tpu.memref_slice %arg11[%dma_wait3A_45] : memref<512xi32, #tpu.memory_space<vmem>> -> memref<128xi32, #tpu.memory_space<vmem>>
    %dma_wait3A_47 = arith.constant 0 : i32
    %dma_wait3A_48 = tpu.memref_slice %arg3[%dma_wait3A_47] : memref<100000xi32, #tpu.memory_space<hbm>> -> memref<100000xi32, #tpu.memory_space<hbm>>
    tpu.wait_indirect_dma semaphore(%arg16 : memref<!tpu.dma_semaphore, #tpu.memory_space<semaphore_mem>>) src(%dma_wait3A_48 : memref<100000xi32, #tpu.memory_space<hbm>>) dst(%dma_wait3A_44 : memref<128xi32, #tpu.memory_space<vmem>>)
    "tpu.region"() ({
      %run_scoped3A = tpu.sem_alloc : memref<!tpu.dma_semaphore, #tpu.memory_space<semaphore_mem>>
      %dma_start3A_241 = tpu.memref_slice %arg10[%mul3A_2] : memref<16384xi32, #tpu.memory_space<hbm>> -> memref<512xi32, #tpu.memory_space<hbm>>
      %dma_start3A_242 = tpu.memref_slice %arg10[%mul3A_2] : memref<16384xi32, #tpu.memory_space<hbm>> -> memref<512xi32, #tpu.memory_space<hbm>>
      tpu.enqueue_dma source(%arg14 : memref<512xi32, #tpu.memory_space<vmem>>) target(%dma_start3A_242 : memref<512xi32, #tpu.memory_space<hbm>>) target_semaphore(%run_scoped3A : memref<!tpu.dma_semaphore, #tpu.memory_space<semaphore_mem>>)
      %dma_wait3A_243 = tpu.memref_slice %arg10[%mul3A_2] : memref<16384xi32, #tpu.memory_space<hbm>> -> memref<512xi32, #tpu.memory_space<hbm>>
      %dma_wait3A_244 = tpu.memref_slice %arg10[%mul3A_2] : memref<16384xi32, #tpu.memory_space<hbm>> -> memref<512xi32, #tpu.memory_space<hbm>>
      tpu.wait_dma2 semaphore(%run_scoped3A : memref<!tpu.dma_semaphore, #tpu.memory_space<semaphore_mem>>) src(%arg14 : memref<512xi32, #tpu.memory_space<vmem>>) dst(%dma_wait3A_244 : memref<512xi32, #tpu.memory_space<hbm>>)
      tpu.yield
    }) : () -> ()
    %dma_start3A_49 = arith.constant 0 : i32
    %dma_start3A_50 = arith.constant 0 : i32
    %dma_start3A_51 = tpu.memref_slice %arg15[%dma_start3A_49, %dma_start3A_50] : memref<512x128xf32, #tpu.memory_space<vmem>> -> memref<128x128xf32, #tpu.memory_space<vmem>>
    %dma_start3A_52 = arith.constant 0 : i32
    %dma_start3A_53 = tpu.memref_slice %arg11[%dma_start3A_52] : memref<512xi32, #tpu.memory_space<vmem>> -> memref<128xi32, #tpu.memory_space<vmem>>
    %dma_start3A_54 = arith.constant 0 : i32
    %dma_start3A_55 = arith.constant 0 : i32
    %dma_start3A_56 = tpu.memref_slice %arg2[%dma_start3A_54, %dma_start3A_55] : memref<100000x128xf32, #tpu.memory_space<hbm>> -> memref<100000x128xf32, #tpu.memory_space<hbm>>
    tpu.enqueue_indirect_dma source(%dma_start3A_56 : memref<100000x128xf32, #tpu.memory_space<hbm>>) target(%dma_start3A_51 : memref<128x128xf32, #tpu.memory_space<vmem>>) offsets(%dma_start3A_53 : memref<128xi32, #tpu.memory_space<vmem>>) semaphore(%arg16 : memref<!tpu.dma_semaphore, #tpu.memory_space<semaphore_mem>>)
    %dma_start3A_57 = arith.constant 128 : i32
    %dma_start3A_58 = arith.constant 0 : i32
    %dma_start3A_59 = tpu.memref_slice %arg15[%dma_start3A_57, %dma_start3A_58] : memref<512x128xf32, #tpu.memory_space<vmem>> -> memref<128x128xf32, #tpu.memory_space<vmem>>
    %dma_start3A_60 = arith.constant 128 : i32
    %dma_start3A_61 = tpu.memref_slice %arg11[%dma_start3A_60] : memref<512xi32, #tpu.memory_space<vmem>> -> memref<128xi32, #tpu.memory_space<vmem>>
    %dma_start3A_62 = arith.constant 0 : i32
    %dma_start3A_63 = arith.constant 0 : i32
    %dma_start3A_64 = tpu.memref_slice %arg2[%dma_start3A_62, %dma_start3A_63] : memref<100000x128xf32, #tpu.memory_space<hbm>> -> memref<100000x128xf32, #tpu.memory_space<hbm>>
    tpu.enqueue_indirect_dma source(%dma_start3A_64 : memref<100000x128xf32, #tpu.memory_space<hbm>>) target(%dma_start3A_59 : memref<128x128xf32, #tpu.memory_space<vmem>>) offsets(%dma_start3A_61 : memref<128xi32, #tpu.memory_space<vmem>>) semaphore(%arg16 : memref<!tpu.dma_semaphore, #tpu.memory_space<semaphore_mem>>)
    %dma_start3A_65 = arith.constant 256 : i32
    %dma_start3A_66 = arith.constant 0 : i32
    %dma_start3A_67 = tpu.memref_slice %arg15[%dma_start3A_65, %dma_start3A_66] : memref<512x128xf32, #tpu.memory_space<vmem>> -> memref<128x128xf32, #tpu.memory_space<vmem>>
    %dma_start3A_68 = arith.constant 256 : i32
    %dma_start3A_69 = tpu.memref_slice %arg11[%dma_start3A_68] : memref<512xi32, #tpu.memory_space<vmem>> -> memref<128xi32, #tpu.memory_space<vmem>>
    %dma_start3A_70 = arith.constant 0 : i32
    %dma_start3A_71 = arith.constant 0 : i32
    %dma_start3A_72 = tpu.memref_slice %arg2[%dma_start3A_70, %dma_start3A_71] : memref<100000x128xf32, #tpu.memory_space<hbm>> -> memref<100000x128xf32, #tpu.memory_space<hbm>>
    tpu.enqueue_indirect_dma source(%dma_start3A_72 : memref<100000x128xf32, #tpu.memory_space<hbm>>) target(%dma_start3A_67 : memref<128x128xf32, #tpu.memory_space<vmem>>) offsets(%dma_start3A_69 : memref<128xi32, #tpu.memory_space<vmem>>) semaphore(%arg16 : memref<!tpu.dma_semaphore, #tpu.memory_space<semaphore_mem>>)
    %dma_start3A_73 = arith.constant 384 : i32
    %dma_start3A_74 = arith.constant 0 : i32
    %dma_start3A_75 = tpu.memref_slice %arg15[%dma_start3A_73, %dma_start3A_74] : memref<512x128xf32, #tpu.memory_space<vmem>> -> memref<128x128xf32, #tpu.memory_space<vmem>>
    %dma_start3A_76 = arith.constant 384 : i32
    %dma_start3A_77 = tpu.memref_slice %arg11[%dma_start3A_76] : memref<512xi32, #tpu.memory_space<vmem>> -> memref<128xi32, #tpu.memory_space<vmem>>
    %dma_start3A_78 = arith.constant 0 : i32
    %dma_start3A_79 = arith.constant 0 : i32
    %dma_start3A_80 = tpu.memref_slice %arg2[%dma_start3A_78, %dma_start3A_79] : memref<100000x128xf32, #tpu.memory_space<hbm>> -> memref<100000x128xf32, #tpu.memory_space<hbm>>
    tpu.enqueue_indirect_dma source(%dma_start3A_80 : memref<100000x128xf32, #tpu.memory_space<hbm>>) target(%dma_start3A_75 : memref<128x128xf32, #tpu.memory_space<vmem>>) offsets(%dma_start3A_77 : memref<128xi32, #tpu.memory_space<vmem>>) semaphore(%arg16 : memref<!tpu.dma_semaphore, #tpu.memory_space<semaphore_mem>>)
    %dma_wait3A_81 = arith.constant 0 : i32
    %dma_wait3A_82 = arith.constant 0 : i32
    %dma_wait3A_83 = tpu.memref_slice %arg15[%dma_wait3A_81, %dma_wait3A_82] : memref<512x128xf32, #tpu.memory_space<vmem>> -> memref<128x128xf32, #tpu.memory_space<vmem>>
    %dma_wait3A_84 = arith.constant 0 : i32
    %dma_wait3A_85 = tpu.memref_slice %arg11[%dma_wait3A_84] : memref<512xi32, #tpu.memory_space<vmem>> -> memref<128xi32, #tpu.memory_space<vmem>>
    %dma_wait3A_86 = arith.constant 0 : i32
    %dma_wait3A_87 = arith.constant 0 : i32
    %dma_wait3A_88 = tpu.memref_slice %arg2[%dma_wait3A_86, %dma_wait3A_87] : memref<100000x128xf32, #tpu.memory_space<hbm>> -> memref<100000x128xf32, #tpu.memory_space<hbm>>
    tpu.wait_indirect_dma semaphore(%arg16 : memref<!tpu.dma_semaphore, #tpu.memory_space<semaphore_mem>>) src(%dma_wait3A_88 : memref<100000x128xf32, #tpu.memory_space<hbm>>) dst(%dma_wait3A_83 : memref<128x128xf32, #tpu.memory_space<vmem>>)
    %dma_wait3A_89 = arith.constant 128 : i32
    %dma_wait3A_90 = arith.constant 0 : i32
    %dma_wait3A_91 = tpu.memref_slice %arg15[%dma_wait3A_89, %dma_wait3A_90] : memref<512x128xf32, #tpu.memory_space<vmem>> -> memref<128x128xf32, #tpu.memory_space<vmem>>
    %dma_wait3A_92 = arith.constant 128 : i32
    %dma_wait3A_93 = tpu.memref_slice %arg11[%dma_wait3A_92] : memref<512xi32, #tpu.memory_space<vmem>> -> memref<128xi32, #tpu.memory_space<vmem>>
    %dma_wait3A_94 = arith.constant 0 : i32
    %dma_wait3A_95 = arith.constant 0 : i32
    %dma_wait3A_96 = tpu.memref_slice %arg2[%dma_wait3A_94, %dma_wait3A_95] : memref<100000x128xf32, #tpu.memory_space<hbm>> -> memref<100000x128xf32, #tpu.memory_space<hbm>>
    tpu.wait_indirect_dma semaphore(%arg16 : memref<!tpu.dma_semaphore, #tpu.memory_space<semaphore_mem>>) src(%dma_wait3A_96 : memref<100000x128xf32, #tpu.memory_space<hbm>>) dst(%dma_wait3A_91 : memref<128x128xf32, #tpu.memory_space<vmem>>)
    %dma_wait3A_97 = arith.constant 256 : i32
    %dma_wait3A_98 = arith.constant 0 : i32
    %dma_wait3A_99 = tpu.memref_slice %arg15[%dma_wait3A_97, %dma_wait3A_98] : memref<512x128xf32, #tpu.memory_space<vmem>> -> memref<128x128xf32, #tpu.memory_space<vmem>>
    %dma_wait3A_100 = arith.constant 256 : i32
    %dma_wait3A_101 = tpu.memref_slice %arg11[%dma_wait3A_100] : memref<512xi32, #tpu.memory_space<vmem>> -> memref<128xi32, #tpu.memory_space<vmem>>
    %dma_wait3A_102 = arith.constant 0 : i32
    %dma_wait3A_103 = arith.constant 0 : i32
    %dma_wait3A_104 = tpu.memref_slice %arg2[%dma_wait3A_102, %dma_wait3A_103] : memref<100000x128xf32, #tpu.memory_space<hbm>> -> memref<100000x128xf32, #tpu.memory_space<hbm>>
    tpu.wait_indirect_dma semaphore(%arg16 : memref<!tpu.dma_semaphore, #tpu.memory_space<semaphore_mem>>) src(%dma_wait3A_104 : memref<100000x128xf32, #tpu.memory_space<hbm>>) dst(%dma_wait3A_99 : memref<128x128xf32, #tpu.memory_space<vmem>>)
    %dma_wait3A_105 = arith.constant 384 : i32
    %dma_wait3A_106 = arith.constant 0 : i32
    %dma_wait3A_107 = tpu.memref_slice %arg15[%dma_wait3A_105, %dma_wait3A_106] : memref<512x128xf32, #tpu.memory_space<vmem>> -> memref<128x128xf32, #tpu.memory_space<vmem>>
    %dma_wait3A_108 = arith.constant 384 : i32
    %dma_wait3A_109 = tpu.memref_slice %arg11[%dma_wait3A_108] : memref<512xi32, #tpu.memory_space<vmem>> -> memref<128xi32, #tpu.memory_space<vmem>>
    %dma_wait3A_110 = arith.constant 0 : i32
    %dma_wait3A_111 = arith.constant 0 : i32
    %dma_wait3A_112 = tpu.memref_slice %arg2[%dma_wait3A_110, %dma_wait3A_111] : memref<100000x128xf32, #tpu.memory_space<hbm>> -> memref<100000x128xf32, #tpu.memory_space<hbm>>
    tpu.wait_indirect_dma semaphore(%arg16 : memref<!tpu.dma_semaphore, #tpu.memory_space<semaphore_mem>>) src(%dma_wait3A_112 : memref<100000x128xf32, #tpu.memory_space<hbm>>) dst(%dma_wait3A_107 : memref<128x128xf32, #tpu.memory_space<vmem>>)
    "tpu.region"() ({
      %run_scoped3A = tpu.sem_alloc : memref<!tpu.dma_semaphore, #tpu.memory_space<semaphore_mem>>
      %dma_start3A_241 = arith.constant 0 : i32
      %dma_start3A_242 = tpu.memref_slice %arg7[%mul3A_2, %dma_start3A_241] : memref<16384x128xf32, #tpu.memory_space<hbm>> -> memref<512x128xf32, #tpu.memory_space<hbm>>
      %dma_start3A_243 = arith.constant 0 : i32
      %dma_start3A_244 = tpu.memref_slice %arg7[%mul3A_2, %dma_start3A_243] : memref<16384x128xf32, #tpu.memory_space<hbm>> -> memref<512x128xf32, #tpu.memory_space<hbm>>
      tpu.enqueue_dma source(%arg15 : memref<512x128xf32, #tpu.memory_space<vmem>>) target(%dma_start3A_244 : memref<512x128xf32, #tpu.memory_space<hbm>>) target_semaphore(%run_scoped3A : memref<!tpu.dma_semaphore, #tpu.memory_space<semaphore_mem>>)
      %dma_wait3A_245 = arith.constant 0 : i32
      %dma_wait3A_246 = tpu.memref_slice %arg7[%mul3A_2, %dma_wait3A_245] : memref<16384x128xf32, #tpu.memory_space<hbm>> -> memref<512x128xf32, #tpu.memory_space<hbm>>
      %dma_wait3A_247 = arith.constant 0 : i32
      %dma_wait3A_248 = tpu.memref_slice %arg7[%mul3A_2, %dma_wait3A_247] : memref<16384x128xf32, #tpu.memory_space<hbm>> -> memref<512x128xf32, #tpu.memory_space<hbm>>
      tpu.wait_dma2 semaphore(%run_scoped3A : memref<!tpu.dma_semaphore, #tpu.memory_space<semaphore_mem>>) src(%arg15 : memref<512x128xf32, #tpu.memory_space<vmem>>) dst(%dma_wait3A_248 : memref<512x128xf32, #tpu.memory_space<hbm>>)
      tpu.yield
    }) : () -> ()
    %dma_start3A_113 = arith.constant 0 : i32
    %dma_start3A_114 = arith.constant 0 : i32
    %dma_start3A_115 = tpu.memref_slice %arg15[%dma_start3A_113, %dma_start3A_114] : memref<512x128xf32, #tpu.memory_space<vmem>> -> memref<128x128xf32, #tpu.memory_space<vmem>>
    %dma_start3A_116 = arith.constant 0 : i32
    %dma_start3A_117 = tpu.memref_slice %arg12[%dma_start3A_116] : memref<512xi32, #tpu.memory_space<vmem>> -> memref<128xi32, #tpu.memory_space<vmem>>
    %dma_start3A_118 = arith.constant 0 : i32
    %dma_start3A_119 = arith.constant 0 : i32
    %dma_start3A_120 = tpu.memref_slice %arg2[%dma_start3A_118, %dma_start3A_119] : memref<100000x128xf32, #tpu.memory_space<hbm>> -> memref<100000x128xf32, #tpu.memory_space<hbm>>
    tpu.enqueue_indirect_dma source(%dma_start3A_120 : memref<100000x128xf32, #tpu.memory_space<hbm>>) target(%dma_start3A_115 : memref<128x128xf32, #tpu.memory_space<vmem>>) offsets(%dma_start3A_117 : memref<128xi32, #tpu.memory_space<vmem>>) semaphore(%arg16 : memref<!tpu.dma_semaphore, #tpu.memory_space<semaphore_mem>>)
    %dma_start3A_121 = arith.constant 128 : i32
    %dma_start3A_122 = arith.constant 0 : i32
    %dma_start3A_123 = tpu.memref_slice %arg15[%dma_start3A_121, %dma_start3A_122] : memref<512x128xf32, #tpu.memory_space<vmem>> -> memref<128x128xf32, #tpu.memory_space<vmem>>
    %dma_start3A_124 = arith.constant 128 : i32
    %dma_start3A_125 = tpu.memref_slice %arg12[%dma_start3A_124] : memref<512xi32, #tpu.memory_space<vmem>> -> memref<128xi32, #tpu.memory_space<vmem>>
    %dma_start3A_126 = arith.constant 0 : i32
    %dma_start3A_127 = arith.constant 0 : i32
    %dma_start3A_128 = tpu.memref_slice %arg2[%dma_start3A_126, %dma_start3A_127] : memref<100000x128xf32, #tpu.memory_space<hbm>> -> memref<100000x128xf32, #tpu.memory_space<hbm>>
    tpu.enqueue_indirect_dma source(%dma_start3A_128 : memref<100000x128xf32, #tpu.memory_space<hbm>>) target(%dma_start3A_123 : memref<128x128xf32, #tpu.memory_space<vmem>>) offsets(%dma_start3A_125 : memref<128xi32, #tpu.memory_space<vmem>>) semaphore(%arg16 : memref<!tpu.dma_semaphore, #tpu.memory_space<semaphore_mem>>)
    %dma_start3A_129 = arith.constant 256 : i32
    %dma_start3A_130 = arith.constant 0 : i32
    %dma_start3A_131 = tpu.memref_slice %arg15[%dma_start3A_129, %dma_start3A_130] : memref<512x128xf32, #tpu.memory_space<vmem>> -> memref<128x128xf32, #tpu.memory_space<vmem>>
    %dma_start3A_132 = arith.constant 256 : i32
    %dma_start3A_133 = tpu.memref_slice %arg12[%dma_start3A_132] : memref<512xi32, #tpu.memory_space<vmem>> -> memref<128xi32, #tpu.memory_space<vmem>>
    %dma_start3A_134 = arith.constant 0 : i32
    %dma_start3A_135 = arith.constant 0 : i32
    %dma_start3A_136 = tpu.memref_slice %arg2[%dma_start3A_134, %dma_start3A_135] : memref<100000x128xf32, #tpu.memory_space<hbm>> -> memref<100000x128xf32, #tpu.memory_space<hbm>>
    tpu.enqueue_indirect_dma source(%dma_start3A_136 : memref<100000x128xf32, #tpu.memory_space<hbm>>) target(%dma_start3A_131 : memref<128x128xf32, #tpu.memory_space<vmem>>) offsets(%dma_start3A_133 : memref<128xi32, #tpu.memory_space<vmem>>) semaphore(%arg16 : memref<!tpu.dma_semaphore, #tpu.memory_space<semaphore_mem>>)
    %dma_start3A_137 = arith.constant 384 : i32
    %dma_start3A_138 = arith.constant 0 : i32
    %dma_start3A_139 = tpu.memref_slice %arg15[%dma_start3A_137, %dma_start3A_138] : memref<512x128xf32, #tpu.memory_space<vmem>> -> memref<128x128xf32, #tpu.memory_space<vmem>>
    %dma_start3A_140 = arith.constant 384 : i32
    %dma_start3A_141 = tpu.memref_slice %arg12[%dma_start3A_140] : memref<512xi32, #tpu.memory_space<vmem>> -> memref<128xi32, #tpu.memory_space<vmem>>
    %dma_start3A_142 = arith.constant 0 : i32
    %dma_start3A_143 = arith.constant 0 : i32
    %dma_start3A_144 = tpu.memref_slice %arg2[%dma_start3A_142, %dma_start3A_143] : memref<100000x128xf32, #tpu.memory_space<hbm>> -> memref<100000x128xf32, #tpu.memory_space<hbm>>
    tpu.enqueue_indirect_dma source(%dma_start3A_144 : memref<100000x128xf32, #tpu.memory_space<hbm>>) target(%dma_start3A_139 : memref<128x128xf32, #tpu.memory_space<vmem>>) offsets(%dma_start3A_141 : memref<128xi32, #tpu.memory_space<vmem>>) semaphore(%arg16 : memref<!tpu.dma_semaphore, #tpu.memory_space<semaphore_mem>>)
    %dma_wait3A_145 = arith.constant 0 : i32
    %dma_wait3A_146 = arith.constant 0 : i32
    %dma_wait3A_147 = tpu.memref_slice %arg15[%dma_wait3A_145, %dma_wait3A_146] : memref<512x128xf32, #tpu.memory_space<vmem>> -> memref<128x128xf32, #tpu.memory_space<vmem>>
    %dma_wait3A_148 = arith.constant 0 : i32
    %dma_wait3A_149 = tpu.memref_slice %arg12[%dma_wait3A_148] : memref<512xi32, #tpu.memory_space<vmem>> -> memref<128xi32, #tpu.memory_space<vmem>>
    %dma_wait3A_150 = arith.constant 0 : i32
    %dma_wait3A_151 = arith.constant 0 : i32
    %dma_wait3A_152 = tpu.memref_slice %arg2[%dma_wait3A_150, %dma_wait3A_151] : memref<100000x128xf32, #tpu.memory_space<hbm>> -> memref<100000x128xf32, #tpu.memory_space<hbm>>
    tpu.wait_indirect_dma semaphore(%arg16 : memref<!tpu.dma_semaphore, #tpu.memory_space<semaphore_mem>>) src(%dma_wait3A_152 : memref<100000x128xf32, #tpu.memory_space<hbm>>) dst(%dma_wait3A_147 : memref<128x128xf32, #tpu.memory_space<vmem>>)
    %dma_wait3A_153 = arith.constant 128 : i32
    %dma_wait3A_154 = arith.constant 0 : i32
    %dma_wait3A_155 = tpu.memref_slice %arg15[%dma_wait3A_153, %dma_wait3A_154] : memref<512x128xf32, #tpu.memory_space<vmem>> -> memref<128x128xf32, #tpu.memory_space<vmem>>
    %dma_wait3A_156 = arith.constant 128 : i32
    %dma_wait3A_157 = tpu.memref_slice %arg12[%dma_wait3A_156] : memref<512xi32, #tpu.memory_space<vmem>> -> memref<128xi32, #tpu.memory_space<vmem>>
    %dma_wait3A_158 = arith.constant 0 : i32
    %dma_wait3A_159 = arith.constant 0 : i32
    %dma_wait3A_160 = tpu.memref_slice %arg2[%dma_wait3A_158, %dma_wait3A_159] : memref<100000x128xf32, #tpu.memory_space<hbm>> -> memref<100000x128xf32, #tpu.memory_space<hbm>>
    tpu.wait_indirect_dma semaphore(%arg16 : memref<!tpu.dma_semaphore, #tpu.memory_space<semaphore_mem>>) src(%dma_wait3A_160 : memref<100000x128xf32, #tpu.memory_space<hbm>>) dst(%dma_wait3A_155 : memref<128x128xf32, #tpu.memory_space<vmem>>)
    %dma_wait3A_161 = arith.constant 256 : i32
    %dma_wait3A_162 = arith.constant 0 : i32
    %dma_wait3A_163 = tpu.memref_slice %arg15[%dma_wait3A_161, %dma_wait3A_162] : memref<512x128xf32, #tpu.memory_space<vmem>> -> memref<128x128xf32, #tpu.memory_space<vmem>>
    %dma_wait3A_164 = arith.constant 256 : i32
    %dma_wait3A_165 = tpu.memref_slice %arg12[%dma_wait3A_164] : memref<512xi32, #tpu.memory_space<vmem>> -> memref<128xi32, #tpu.memory_space<vmem>>
    %dma_wait3A_166 = arith.constant 0 : i32
    %dma_wait3A_167 = arith.constant 0 : i32
    %dma_wait3A_168 = tpu.memref_slice %arg2[%dma_wait3A_166, %dma_wait3A_167] : memref<100000x128xf32, #tpu.memory_space<hbm>> -> memref<100000x128xf32, #tpu.memory_space<hbm>>
    tpu.wait_indirect_dma semaphore(%arg16 : memref<!tpu.dma_semaphore, #tpu.memory_space<semaphore_mem>>) src(%dma_wait3A_168 : memref<100000x128xf32, #tpu.memory_space<hbm>>) dst(%dma_wait3A_163 : memref<128x128xf32, #tpu.memory_space<vmem>>)
    %dma_wait3A_169 = arith.constant 384 : i32
    %dma_wait3A_170 = arith.constant 0 : i32
    %dma_wait3A_171 = tpu.memref_slice %arg15[%dma_wait3A_169, %dma_wait3A_170] : memref<512x128xf32, #tpu.memory_space<vmem>> -> memref<128x128xf32, #tpu.memory_space<vmem>>
    %dma_wait3A_172 = arith.constant 384 : i32
    %dma_wait3A_173 = tpu.memref_slice %arg12[%dma_wait3A_172] : memref<512xi32, #tpu.memory_space<vmem>> -> memref<128xi32, #tpu.memory_space<vmem>>
    %dma_wait3A_174 = arith.constant 0 : i32
    %dma_wait3A_175 = arith.constant 0 : i32
    %dma_wait3A_176 = tpu.memref_slice %arg2[%dma_wait3A_174, %dma_wait3A_175] : memref<100000x128xf32, #tpu.memory_space<hbm>> -> memref<100000x128xf32, #tpu.memory_space<hbm>>
    tpu.wait_indirect_dma semaphore(%arg16 : memref<!tpu.dma_semaphore, #tpu.memory_space<semaphore_mem>>) src(%dma_wait3A_176 : memref<100000x128xf32, #tpu.memory_space<hbm>>) dst(%dma_wait3A_171 : memref<128x128xf32, #tpu.memory_space<vmem>>)
    "tpu.region"() ({
      %run_scoped3A = tpu.sem_alloc : memref<!tpu.dma_semaphore, #tpu.memory_space<semaphore_mem>>
      %dma_start3A_241 = arith.constant 0 : i32
      %dma_start3A_242 = tpu.memref_slice %arg8[%mul3A_2, %dma_start3A_241] : memref<16384x128xf32, #tpu.memory_space<hbm>> -> memref<512x128xf32, #tpu.memory_space<hbm>>
      %dma_start3A_243 = arith.constant 0 : i32
      %dma_start3A_244 = tpu.memref_slice %arg8[%mul3A_2, %dma_start3A_243] : memref<16384x128xf32, #tpu.memory_space<hbm>> -> memref<512x128xf32, #tpu.memory_space<hbm>>
      tpu.enqueue_dma source(%arg15 : memref<512x128xf32, #tpu.memory_space<vmem>>) target(%dma_start3A_244 : memref<512x128xf32, #tpu.memory_space<hbm>>) target_semaphore(%run_scoped3A : memref<!tpu.dma_semaphore, #tpu.memory_space<semaphore_mem>>)
      %dma_wait3A_245 = arith.constant 0 : i32
      %dma_wait3A_246 = tpu.memref_slice %arg8[%mul3A_2, %dma_wait3A_245] : memref<16384x128xf32, #tpu.memory_space<hbm>> -> memref<512x128xf32, #tpu.memory_space<hbm>>
      %dma_wait3A_247 = arith.constant 0 : i32
      %dma_wait3A_248 = tpu.memref_slice %arg8[%mul3A_2, %dma_wait3A_247] : memref<16384x128xf32, #tpu.memory_space<hbm>> -> memref<512x128xf32, #tpu.memory_space<hbm>>
      tpu.wait_dma2 semaphore(%run_scoped3A : memref<!tpu.dma_semaphore, #tpu.memory_space<semaphore_mem>>) src(%arg15 : memref<512x128xf32, #tpu.memory_space<vmem>>) dst(%dma_wait3A_248 : memref<512x128xf32, #tpu.memory_space<hbm>>)
      tpu.yield
    }) : () -> ()
    %dma_start3A_177 = arith.constant 0 : i32
    %dma_start3A_178 = arith.constant 0 : i32
    %dma_start3A_179 = tpu.memref_slice %arg15[%dma_start3A_177, %dma_start3A_178] : memref<512x128xf32, #tpu.memory_space<vmem>> -> memref<128x128xf32, #tpu.memory_space<vmem>>
    %dma_start3A_180 = arith.constant 0 : i32
    %dma_start3A_181 = tpu.memref_slice %arg13[%dma_start3A_180] : memref<512xi32, #tpu.memory_space<vmem>> -> memref<128xi32, #tpu.memory_space<vmem>>
    %dma_start3A_182 = arith.constant 0 : i32
    %dma_start3A_183 = arith.constant 0 : i32
    %dma_start3A_184 = tpu.memref_slice %arg2[%dma_start3A_182, %dma_start3A_183] : memref<100000x128xf32, #tpu.memory_space<hbm>> -> memref<100000x128xf32, #tpu.memory_space<hbm>>
    tpu.enqueue_indirect_dma source(%dma_start3A_184 : memref<100000x128xf32, #tpu.memory_space<hbm>>) target(%dma_start3A_179 : memref<128x128xf32, #tpu.memory_space<vmem>>) offsets(%dma_start3A_181 : memref<128xi32, #tpu.memory_space<vmem>>) semaphore(%arg16 : memref<!tpu.dma_semaphore, #tpu.memory_space<semaphore_mem>>)
    %dma_start3A_185 = arith.constant 128 : i32
    %dma_start3A_186 = arith.constant 0 : i32
    %dma_start3A_187 = tpu.memref_slice %arg15[%dma_start3A_185, %dma_start3A_186] : memref<512x128xf32, #tpu.memory_space<vmem>> -> memref<128x128xf32, #tpu.memory_space<vmem>>
    %dma_start3A_188 = arith.constant 128 : i32
    %dma_start3A_189 = tpu.memref_slice %arg13[%dma_start3A_188] : memref<512xi32, #tpu.memory_space<vmem>> -> memref<128xi32, #tpu.memory_space<vmem>>
    %dma_start3A_190 = arith.constant 0 : i32
    %dma_start3A_191 = arith.constant 0 : i32
    %dma_start3A_192 = tpu.memref_slice %arg2[%dma_start3A_190, %dma_start3A_191] : memref<100000x128xf32, #tpu.memory_space<hbm>> -> memref<100000x128xf32, #tpu.memory_space<hbm>>
    tpu.enqueue_indirect_dma source(%dma_start3A_192 : memref<100000x128xf32, #tpu.memory_space<hbm>>) target(%dma_start3A_187 : memref<128x128xf32, #tpu.memory_space<vmem>>) offsets(%dma_start3A_189 : memref<128xi32, #tpu.memory_space<vmem>>) semaphore(%arg16 : memref<!tpu.dma_semaphore, #tpu.memory_space<semaphore_mem>>)
    %dma_start3A_193 = arith.constant 256 : i32
    %dma_start3A_194 = arith.constant 0 : i32
    %dma_start3A_195 = tpu.memref_slice %arg15[%dma_start3A_193, %dma_start3A_194] : memref<512x128xf32, #tpu.memory_space<vmem>> -> memref<128x128xf32, #tpu.memory_space<vmem>>
    %dma_start3A_196 = arith.constant 256 : i32
    %dma_start3A_197 = tpu.memref_slice %arg13[%dma_start3A_196] : memref<512xi32, #tpu.memory_space<vmem>> -> memref<128xi32, #tpu.memory_space<vmem>>
    %dma_start3A_198 = arith.constant 0 : i32
    %dma_start3A_199 = arith.constant 0 : i32
    %dma_start3A_200 = tpu.memref_slice %arg2[%dma_start3A_198, %dma_start3A_199] : memref<100000x128xf32, #tpu.memory_space<hbm>> -> memref<100000x128xf32, #tpu.memory_space<hbm>>
    tpu.enqueue_indirect_dma source(%dma_start3A_200 : memref<100000x128xf32, #tpu.memory_space<hbm>>) target(%dma_start3A_195 : memref<128x128xf32, #tpu.memory_space<vmem>>) offsets(%dma_start3A_197 : memref<128xi32, #tpu.memory_space<vmem>>) semaphore(%arg16 : memref<!tpu.dma_semaphore, #tpu.memory_space<semaphore_mem>>)
    %dma_start3A_201 = arith.constant 384 : i32
    %dma_start3A_202 = arith.constant 0 : i32
    %dma_start3A_203 = tpu.memref_slice %arg15[%dma_start3A_201, %dma_start3A_202] : memref<512x128xf32, #tpu.memory_space<vmem>> -> memref<128x128xf32, #tpu.memory_space<vmem>>
    %dma_start3A_204 = arith.constant 384 : i32
    %dma_start3A_205 = tpu.memref_slice %arg13[%dma_start3A_204] : memref<512xi32, #tpu.memory_space<vmem>> -> memref<128xi32, #tpu.memory_space<vmem>>
    %dma_start3A_206 = arith.constant 0 : i32
    %dma_start3A_207 = arith.constant 0 : i32
    %dma_start3A_208 = tpu.memref_slice %arg2[%dma_start3A_206, %dma_start3A_207] : memref<100000x128xf32, #tpu.memory_space<hbm>> -> memref<100000x128xf32, #tpu.memory_space<hbm>>
    tpu.enqueue_indirect_dma source(%dma_start3A_208 : memref<100000x128xf32, #tpu.memory_space<hbm>>) target(%dma_start3A_203 : memref<128x128xf32, #tpu.memory_space<vmem>>) offsets(%dma_start3A_205 : memref<128xi32, #tpu.memory_space<vmem>>) semaphore(%arg16 : memref<!tpu.dma_semaphore, #tpu.memory_space<semaphore_mem>>)
    %dma_wait3A_209 = arith.constant 0 : i32
    %dma_wait3A_210 = arith.constant 0 : i32
    %dma_wait3A_211 = tpu.memref_slice %arg15[%dma_wait3A_209, %dma_wait3A_210] : memref<512x128xf32, #tpu.memory_space<vmem>> -> memref<128x128xf32, #tpu.memory_space<vmem>>
    %dma_wait3A_212 = arith.constant 0 : i32
    %dma_wait3A_213 = tpu.memref_slice %arg13[%dma_wait3A_212] : memref<512xi32, #tpu.memory_space<vmem>> -> memref<128xi32, #tpu.memory_space<vmem>>
    %dma_wait3A_214 = arith.constant 0 : i32
    %dma_wait3A_215 = arith.constant 0 : i32
    %dma_wait3A_216 = tpu.memref_slice %arg2[%dma_wait3A_214, %dma_wait3A_215] : memref<100000x128xf32, #tpu.memory_space<hbm>> -> memref<100000x128xf32, #tpu.memory_space<hbm>>
    tpu.wait_indirect_dma semaphore(%arg16 : memref<!tpu.dma_semaphore, #tpu.memory_space<semaphore_mem>>) src(%dma_wait3A_216 : memref<100000x128xf32, #tpu.memory_space<hbm>>) dst(%dma_wait3A_211 : memref<128x128xf32, #tpu.memory_space<vmem>>)
    %dma_wait3A_217 = arith.constant 128 : i32
    %dma_wait3A_218 = arith.constant 0 : i32
    %dma_wait3A_219 = tpu.memref_slice %arg15[%dma_wait3A_217, %dma_wait3A_218] : memref<512x128xf32, #tpu.memory_space<vmem>> -> memref<128x128xf32, #tpu.memory_space<vmem>>
    %dma_wait3A_220 = arith.constant 128 : i32
    %dma_wait3A_221 = tpu.memref_slice %arg13[%dma_wait3A_220] : memref<512xi32, #tpu.memory_space<vmem>> -> memref<128xi32, #tpu.memory_space<vmem>>
    %dma_wait3A_222 = arith.constant 0 : i32
    %dma_wait3A_223 = arith.constant 0 : i32
    %dma_wait3A_224 = tpu.memref_slice %arg2[%dma_wait3A_222, %dma_wait3A_223] : memref<100000x128xf32, #tpu.memory_space<hbm>> -> memref<100000x128xf32, #tpu.memory_space<hbm>>
    tpu.wait_indirect_dma semaphore(%arg16 : memref<!tpu.dma_semaphore, #tpu.memory_space<semaphore_mem>>) src(%dma_wait3A_224 : memref<100000x128xf32, #tpu.memory_space<hbm>>) dst(%dma_wait3A_219 : memref<128x128xf32, #tpu.memory_space<vmem>>)
    %dma_wait3A_225 = arith.constant 256 : i32
    %dma_wait3A_226 = arith.constant 0 : i32
    %dma_wait3A_227 = tpu.memref_slice %arg15[%dma_wait3A_225, %dma_wait3A_226] : memref<512x128xf32, #tpu.memory_space<vmem>> -> memref<128x128xf32, #tpu.memory_space<vmem>>
    %dma_wait3A_228 = arith.constant 256 : i32
    %dma_wait3A_229 = tpu.memref_slice %arg13[%dma_wait3A_228] : memref<512xi32, #tpu.memory_space<vmem>> -> memref<128xi32, #tpu.memory_space<vmem>>
    %dma_wait3A_230 = arith.constant 0 : i32
    %dma_wait3A_231 = arith.constant 0 : i32
    %dma_wait3A_232 = tpu.memref_slice %arg2[%dma_wait3A_230, %dma_wait3A_231] : memref<100000x128xf32, #tpu.memory_space<hbm>> -> memref<100000x128xf32, #tpu.memory_space<hbm>>
    tpu.wait_indirect_dma semaphore(%arg16 : memref<!tpu.dma_semaphore, #tpu.memory_space<semaphore_mem>>) src(%dma_wait3A_232 : memref<100000x128xf32, #tpu.memory_space<hbm>>) dst(%dma_wait3A_227 : memref<128x128xf32, #tpu.memory_space<vmem>>)
    %dma_wait3A_233 = arith.constant 384 : i32
    %dma_wait3A_234 = arith.constant 0 : i32
    %dma_wait3A_235 = tpu.memref_slice %arg15[%dma_wait3A_233, %dma_wait3A_234] : memref<512x128xf32, #tpu.memory_space<vmem>> -> memref<128x128xf32, #tpu.memory_space<vmem>>
    %dma_wait3A_236 = arith.constant 384 : i32
    %dma_wait3A_237 = tpu.memref_slice %arg13[%dma_wait3A_236] : memref<512xi32, #tpu.memory_space<vmem>> -> memref<128xi32, #tpu.memory_space<vmem>>
    %dma_wait3A_238 = arith.constant 0 : i32
    %dma_wait3A_239 = arith.constant 0 : i32
    %dma_wait3A_240 = tpu.memref_slice %arg2[%dma_wait3A_238, %dma_wait3A_239] : memref<100000x128xf32, #tpu.memory_space<hbm>> -> memref<100000x128xf32, #tpu.memory_space<hbm>>
    tpu.wait_indirect_dma semaphore(%arg16 : memref<!tpu.dma_semaphore, #tpu.memory_space<semaphore_mem>>) src(%dma_wait3A_240 : memref<100000x128xf32, #tpu.memory_space<hbm>>) dst(%dma_wait3A_235 : memref<128x128xf32, #tpu.memory_space<vmem>>)
    "tpu.region"() ({
      %run_scoped3A = tpu.sem_alloc : memref<!tpu.dma_semaphore, #tpu.memory_space<semaphore_mem>>
      %dma_start3A_241 = arith.constant 0 : i32
      %dma_start3A_242 = tpu.memref_slice %arg9[%mul3A_2, %dma_start3A_241] : memref<16384x128xf32, #tpu.memory_space<hbm>> -> memref<512x128xf32, #tpu.memory_space<hbm>>
      %dma_start3A_243 = arith.constant 0 : i32
      %dma_start3A_244 = tpu.memref_slice %arg9[%mul3A_2, %dma_start3A_243] : memref<16384x128xf32, #tpu.memory_space<hbm>> -> memref<512x128xf32, #tpu.memory_space<hbm>>
      tpu.enqueue_dma source(%arg15 : memref<512x128xf32, #tpu.memory_space<vmem>>) target(%dma_start3A_244 : memref<512x128xf32, #tpu.memory_space<hbm>>) target_semaphore(%run_scoped3A : memref<!tpu.dma_semaphore, #tpu.memory_space<semaphore_mem>>)
      %dma_wait3A_245 = arith.constant 0 : i32
      %dma_wait3A_246 = tpu.memref_slice %arg9[%mul3A_2, %dma_wait3A_245] : memref<16384x128xf32, #tpu.memory_space<hbm>> -> memref<512x128xf32, #tpu.memory_space<hbm>>
      %dma_wait3A_247 = arith.constant 0 : i32
      %dma_wait3A_248 = tpu.memref_slice %arg9[%mul3A_2, %dma_wait3A_247] : memref<16384x128xf32, #tpu.memory_space<hbm>> -> memref<512x128xf32, #tpu.memory_space<hbm>>
      tpu.wait_dma2 semaphore(%run_scoped3A : memref<!tpu.dma_semaphore, #tpu.memory_space<semaphore_mem>>) src(%arg15 : memref<512x128xf32, #tpu.memory_space<vmem>>) dst(%dma_wait3A_248 : memref<512x128xf32, #tpu.memory_space<hbm>>)
      tpu.yield
    }) : () -> ()
    return
  }
}

module attributes {stable_mosaic.version = 14 : i64} {
  func.func @_tc_body(%arg0: i32, %arg1: memref<1024x128xf32, #tpu.memory_space<vmem>>, %arg2: memref<1024x128xf32, #tpu.memory_space<vmem>>, %arg3: memref<1024x128xf32, #tpu.memory_space<vmem>>, %arg4: memref<1024x128xf32, #tpu.memory_space<vmem>>, %arg5: memref<1024x128xf32, #tpu.memory_space<vmem>>, %arg6: memref<1x1x1024xi32, #tpu.memory_space<vmem>>, %arg7: memref<1x1x1024xi32, #tpu.memory_space<vmem>>, %arg8: memref<1x1x1024xi32, #tpu.memory_space<vmem>>, %arg9: memref<1x128xf32, #tpu.memory_space<vmem>>, %arg10: memref<1x128xf32, #tpu.memory_space<vmem>>, %arg11: memref<384x512xf32, #tpu.memory_space<vmem>>, %arg12: memref<384x128xf32, #tpu.memory_space<vmem>>, %arg13: memref<1x384xf32, #tpu.memory_space<vmem>>, %arg14: memref<1x384xf32, #tpu.memory_space<vmem>>, %arg15: memref<1024x128xf32, #tpu.memory_space<vmem>>) attributes {dimension_semantics = [#tpu.dimension_semantics<arbitrary>], iteration_bounds = array<i64: 16>, scalar_prefetch = 0 : i64, scratch_operands = 0 : i64, tpu.core_type = #tpu.core_type<tc>, window_params = [{transform_indices = @transform_0, window_bounds = array<i64: 1024, 128>}, {transform_indices = @transform_1, window_bounds = array<i64: 1024, 128>}, {transform_indices = @transform_2, window_bounds = array<i64: 1024, 128>}, {transform_indices = @transform_3, window_bounds = array<i64: 1024, 128>}, {transform_indices = @transform_4, window_bounds = array<i64: 1024, 128>}, {transform_indices = @transform_5, window_bounds = array<i64: 1, 1, 1024>}, {transform_indices = @transform_6, window_bounds = array<i64: 1, 1, 1024>}, {transform_indices = @transform_7, window_bounds = array<i64: 1, 1, 1024>}, {pipeline_mode = #tpu.pipeline_mode<synchronous>, transform_indices = @transform_8, window_bounds = array<i64: 1, 128>}, {pipeline_mode = #tpu.pipeline_mode<synchronous>, transform_indices = @transform_9, window_bounds = array<i64: 1, 128>}, {pipeline_mode = #tpu.pipeline_mode<synchronous>, transform_indices = @transform_10, window_bounds = array<i64: 384, 512>}, {pipeline_mode = #tpu.pipeline_mode<synchronous>, transform_indices = @transform_11, window_bounds = array<i64: 384, 128>}, {pipeline_mode = #tpu.pipeline_mode<synchronous>, transform_indices = @transform_12, window_bounds = array<i64: 1, 384>}, {pipeline_mode = #tpu.pipeline_mode<synchronous>, transform_indices = @transform_13, window_bounds = array<i64: 1, 384>}, {transform_indices = @transform_14, window_bounds = array<i64: 1024, 128>}]} {
    %get3A = arith.constant 0 : index
    %get3A_0 = arith.constant 0 : index
    %get3A_1 = vector.load %arg1[%get3A, %get3A_0] : memref<1024x128xf32, #tpu.memory_space<vmem>>, vector<1024x128xf32>
    %get3A_2 = arith.constant 0 : index
    %get3A_3 = arith.constant 0 : index
    %get3A_4 = vector.load %arg2[%get3A_2, %get3A_3] : memref<1024x128xf32, #tpu.memory_space<vmem>>, vector<1024x128xf32>
    %get3A_5 = arith.constant 0 : index
    %get3A_6 = arith.constant 0 : index
    %get3A_7 = vector.load %arg3[%get3A_5, %get3A_6] : memref<1024x128xf32, #tpu.memory_space<vmem>>, vector<1024x128xf32>
    %add3A = arith.addf %get3A_4, %get3A_7 : vector<1024x128xf32>
    %mul3A = arith.constant 5.000000e-01 : f32
    %mul3A_8 = vector.broadcast %mul3A : f32 to vector<1024x128xf32>
    %mul3A_9 = arith.mulf %mul3A_8, %add3A : vector<1024x128xf32>
    %get3A_10 = arith.constant 0 : index
    %get3A_11 = arith.constant 0 : index
    %get3A_12 = vector.load %arg4[%get3A_10, %get3A_11] : memref<1024x128xf32, #tpu.memory_space<vmem>>, vector<1024x128xf32>
    %get3A_13 = arith.constant 0 : index
    %get3A_14 = arith.constant 0 : index
    %get3A_15 = vector.load %arg5[%get3A_13, %get3A_14] : memref<1024x128xf32, #tpu.memory_space<vmem>>, vector<1024x128xf32>
    %add3A_16 = arith.addf %get3A_12, %get3A_15 : vector<1024x128xf32>
    %mul3A_17 = arith.constant 5.000000e-01 : f32
    %mul3A_18 = vector.broadcast %mul3A_17 : f32 to vector<1024x128xf32>
    %mul3A_19 = arith.mulf %mul3A_18, %add3A_16 : vector<1024x128xf32>
    %get3A_20 = arith.constant 0 : index
    %get3A_21 = arith.constant 0 : index
    %get3A_22 = vector.load %arg9[%get3A_20, %get3A_21] : memref<1x128xf32, #tpu.memory_space<vmem>>, vector<1x128xf32>
    %get3A_23 = arith.constant 0 : index
    %get3A_24 = arith.constant 0 : index
    %get3A_25 = vector.load %arg10[%get3A_23, %get3A_24] : memref<1x128xf32, #tpu.memory_space<vmem>>, vector<1x128xf32>
    %get3A_26 = arith.constant 0 : index
    %get3A_27 = arith.constant 0 : index
    %get3A_28 = arith.constant 0 : index
    %get3A_29 = vector.load %arg6[%get3A_26, %get3A_27, %get3A_28] : memref<1x1x1024xi32, #tpu.memory_space<vmem>>, vector<1x1x1024xi32>
    %get3A_30 = arith.constant 0 : index
    %get3A_31 = arith.constant 0 : index
    %get3A_32 = arith.constant 0 : index
    %get3A_33 = vector.load %arg8[%get3A_30, %get3A_31, %get3A_32] : memref<1x1x1024xi32, #tpu.memory_space<vmem>>, vector<1x1x1024xi32>
    %sub3A = arith.subi %get3A_29, %get3A_33 : vector<1x1x1024xi32>
    %reshape3A = vector.shape_cast %sub3A : vector<1x1x1024xi32> to vector<1x1024xi32>
    %transpose3A = tpu.transpose %reshape3A, [1, 0] : vector<1x1024xi32> -> vector<1024x1xi32>
    %get3A_34 = arith.constant 0 : index
    %get3A_35 = arith.constant 0 : index
    %get3A_36 = arith.constant 0 : index
    %get3A_37 = vector.load %arg7[%get3A_34, %get3A_35, %get3A_36] : memref<1x1x1024xi32, #tpu.memory_space<vmem>>, vector<1x1x1024xi32>
    %get3A_38 = arith.constant 0 : index
    %get3A_39 = arith.constant 0 : index
    %get3A_40 = arith.constant 0 : index
    %get3A_41 = vector.load %arg8[%get3A_38, %get3A_39, %get3A_40] : memref<1x1x1024xi32, #tpu.memory_space<vmem>>, vector<1x1x1024xi32>
    %sub3A_42 = arith.subi %get3A_37, %get3A_41 : vector<1x1x1024xi32>
    %reshape3A_43 = vector.shape_cast %sub3A_42 : vector<1x1x1024xi32> to vector<1x1024xi32>
    %transpose3A_44 = tpu.transpose %reshape3A_43, [1, 0] : vector<1x1024xi32> -> vector<1024x1xi32>
    %convert_element_type3A = arith.sitofp %transpose3A : vector<1024x1xi32> to vector<1024x1xf32>
    %convert_element_type3A_45 = arith.sitofp %transpose3A_44 : vector<1024x1xi32> to vector<1024x1xf32>
    %mul3A_46 = vector.broadcast %convert_element_type3A : vector<1024x1xf32> to vector<1024x128xf32>
    %mul3A_47 = vector.broadcast %get3A_22 : vector<1x128xf32> to vector<1024x128xf32>
    %mul3A_48 = arith.mulf %mul3A_46, %mul3A_47 : vector<1024x128xf32>
    %add3A_49 = vector.broadcast %get3A_25 : vector<1x128xf32> to vector<1024x128xf32>
    %add3A_50 = arith.addf %mul3A_48, %add3A_49 : vector<1024x128xf32>
    %mul3A_51 = arith.constant 0.159154937 : f32
    %mul3A_52 = vector.broadcast %mul3A_51 : f32 to vector<1024x128xf32>
    %mul3A_53 = arith.mulf %add3A_50, %mul3A_52 : vector<1024x128xf32>
    %round3A = math.roundeven %mul3A_53 : vector<1024x128xf32>
    %mul3A_54 = arith.constant 9.765625E-4 : f32
    %mul3A_55 = vector.broadcast %mul3A_54 : f32 to vector<1024x128xf32>
    %mul3A_56 = arith.mulf %round3A, %mul3A_55 : vector<1024x128xf32>
    %floor3A = math.floor %mul3A_56 : vector<1024x128xf32>
    %mul3A_57 = arith.constant 1.024000e+03 : f32
    %mul3A_58 = vector.broadcast %mul3A_57 : f32 to vector<1024x128xf32>
    %mul3A_59 = arith.mulf %floor3A, %mul3A_58 : vector<1024x128xf32>
    %sub3A_60 = arith.subf %round3A, %mul3A_59 : vector<1024x128xf32>
    %mul3A_61 = arith.constant 6.432000e+03 : f32
    %mul3A_62 = vector.broadcast %mul3A_61 : f32 to vector<1024x128xf32>
    %mul3A_63 = arith.mulf %floor3A, %mul3A_62 : vector<1024x128xf32>
    %sub3A_64 = arith.subf %add3A_50, %mul3A_63 : vector<1024x128xf32>
    %mul3A_65 = arith.constant 6.281250e+00 : f32
    %mul3A_66 = vector.broadcast %mul3A_65 : f32 to vector<1024x128xf32>
    %mul3A_67 = arith.mulf %sub3A_60, %mul3A_66 : vector<1024x128xf32>
    %sub3A_68 = arith.subf %sub3A_64, %mul3A_67 : vector<1024x128xf32>
    %mul3A_69 = arith.constant 0.00193530717 : f32
    %mul3A_70 = vector.broadcast %mul3A_69 : f32 to vector<1024x128xf32>
    %mul3A_71 = arith.mulf %round3A, %mul3A_70 : vector<1024x128xf32>
    %sub3A_72 = arith.subf %sub3A_68, %mul3A_71 : vector<1024x128xf32>
    %mul3A_73 = arith.mulf %sub3A_72, %sub3A_72 : vector<1024x128xf32>
    %mul3A_74 = arith.constant -2.0301664E-7 : f32
    %mul3A_75 = vector.broadcast %mul3A_74 : f32 to vector<1024x128xf32>
    %mul3A_76 = arith.mulf %mul3A_75, %mul3A_73 : vector<1024x128xf32>
    %add3A_77 = arith.constant 2.37587337E-5 : f32
    %add3A_78 = vector.broadcast %add3A_77 : f32 to vector<1024x128xf32>
    %add3A_79 = arith.addf %mul3A_76, %add3A_78 : vector<1024x128xf32>
    %mul3A_80 = arith.mulf %add3A_79, %mul3A_73 : vector<1024x128xf32>
    %sub3A_81 = arith.constant 0.00138168735 : f32
    %sub3A_82 = vector.broadcast %sub3A_81 : f32 to vector<1024x128xf32>
    %sub3A_83 = arith.subf %mul3A_80, %sub3A_82 : vector<1024x128xf32>
    %mul3A_84 = arith.mulf %sub3A_83, %mul3A_73 : vector<1024x128xf32>
    %add3A_85 = arith.constant 0.0416431315 : f32
    %add3A_86 = vector.broadcast %add3A_85 : f32 to vector<1024x128xf32>
    %add3A_87 = arith.addf %mul3A_84, %add3A_86 : vector<1024x128xf32>
    %mul3A_88 = arith.mulf %add3A_87, %mul3A_73 : vector<1024x128xf32>
    %sub3A_89 = arith.constant 0.499969095 : f32
    %sub3A_90 = vector.broadcast %sub3A_89 : f32 to vector<1024x128xf32>
    %sub3A_91 = arith.subf %mul3A_88, %sub3A_90 : vector<1024x128xf32>
    %mul3A_92 = arith.mulf %sub3A_91, %mul3A_73 : vector<1024x128xf32>
    %add3A_93 = arith.constant 0.999990284 : f32
    %add3A_94 = vector.broadcast %add3A_93 : f32 to vector<1024x128xf32>
    %add3A_95 = arith.addf %mul3A_92, %add3A_94 : vector<1024x128xf32>
    %mul3A_96 = vector.broadcast %convert_element_type3A_45 : vector<1024x1xf32> to vector<1024x128xf32>
    %mul3A_97 = vector.broadcast %get3A_22 : vector<1x128xf32> to vector<1024x128xf32>
    %mul3A_98 = arith.mulf %mul3A_96, %mul3A_97 : vector<1024x128xf32>
    %add3A_99 = vector.broadcast %get3A_25 : vector<1x128xf32> to vector<1024x128xf32>
    %add3A_100 = arith.addf %mul3A_98, %add3A_99 : vector<1024x128xf32>
    %mul3A_101 = arith.constant 0.159154937 : f32
    %mul3A_102 = vector.broadcast %mul3A_101 : f32 to vector<1024x128xf32>
    %mul3A_103 = arith.mulf %add3A_100, %mul3A_102 : vector<1024x128xf32>
    %round3A_104 = math.roundeven %mul3A_103 : vector<1024x128xf32>
    %mul3A_105 = arith.constant 9.765625E-4 : f32
    %mul3A_106 = vector.broadcast %mul3A_105 : f32 to vector<1024x128xf32>
    %mul3A_107 = arith.mulf %round3A_104, %mul3A_106 : vector<1024x128xf32>
    %floor3A_108 = math.floor %mul3A_107 : vector<1024x128xf32>
    %mul3A_109 = arith.constant 1.024000e+03 : f32
    %mul3A_110 = vector.broadcast %mul3A_109 : f32 to vector<1024x128xf32>
    %mul3A_111 = arith.mulf %floor3A_108, %mul3A_110 : vector<1024x128xf32>
    %sub3A_112 = arith.subf %round3A_104, %mul3A_111 : vector<1024x128xf32>
    %mul3A_113 = arith.constant 6.432000e+03 : f32
    %mul3A_114 = vector.broadcast %mul3A_113 : f32 to vector<1024x128xf32>
    %mul3A_115 = arith.mulf %floor3A_108, %mul3A_114 : vector<1024x128xf32>
    %sub3A_116 = arith.subf %add3A_100, %mul3A_115 : vector<1024x128xf32>
    %mul3A_117 = arith.constant 6.281250e+00 : f32
    %mul3A_118 = vector.broadcast %mul3A_117 : f32 to vector<1024x128xf32>
    %mul3A_119 = arith.mulf %sub3A_112, %mul3A_118 : vector<1024x128xf32>
    %sub3A_120 = arith.subf %sub3A_116, %mul3A_119 : vector<1024x128xf32>
    %mul3A_121 = arith.constant 0.00193530717 : f32
    %mul3A_122 = vector.broadcast %mul3A_121 : f32 to vector<1024x128xf32>
    %mul3A_123 = arith.mulf %round3A_104, %mul3A_122 : vector<1024x128xf32>
    %sub3A_124 = arith.subf %sub3A_120, %mul3A_123 : vector<1024x128xf32>
    %mul3A_125 = arith.mulf %sub3A_124, %sub3A_124 : vector<1024x128xf32>
    %mul3A_126 = arith.constant -2.0301664E-7 : f32
    %mul3A_127 = vector.broadcast %mul3A_126 : f32 to vector<1024x128xf32>
    %mul3A_128 = arith.mulf %mul3A_127, %mul3A_125 : vector<1024x128xf32>
    %add3A_129 = arith.constant 2.37587337E-5 : f32
    %add3A_130 = vector.broadcast %add3A_129 : f32 to vector<1024x128xf32>
    %add3A_131 = arith.addf %mul3A_128, %add3A_130 : vector<1024x128xf32>
    %mul3A_132 = arith.mulf %add3A_131, %mul3A_125 : vector<1024x128xf32>
    %sub3A_133 = arith.constant 0.00138168735 : f32
    %sub3A_134 = vector.broadcast %sub3A_133 : f32 to vector<1024x128xf32>
    %sub3A_135 = arith.subf %mul3A_132, %sub3A_134 : vector<1024x128xf32>
    %mul3A_136 = arith.mulf %sub3A_135, %mul3A_125 : vector<1024x128xf32>
    %add3A_137 = arith.constant 0.0416431315 : f32
    %add3A_138 = vector.broadcast %add3A_137 : f32 to vector<1024x128xf32>
    %add3A_139 = arith.addf %mul3A_136, %add3A_138 : vector<1024x128xf32>
    %mul3A_140 = arith.mulf %add3A_139, %mul3A_125 : vector<1024x128xf32>
    %sub3A_141 = arith.constant 0.499969095 : f32
    %sub3A_142 = vector.broadcast %sub3A_141 : f32 to vector<1024x128xf32>
    %sub3A_143 = arith.subf %mul3A_140, %sub3A_142 : vector<1024x128xf32>
    %mul3A_144 = arith.mulf %sub3A_143, %mul3A_125 : vector<1024x128xf32>
    %add3A_145 = arith.constant 0.999990284 : f32
    %add3A_146 = vector.broadcast %add3A_145 : f32 to vector<1024x128xf32>
    %add3A_147 = arith.addf %mul3A_144, %add3A_146 : vector<1024x128xf32>
    %add3A_148 = arith.addf %add3A_95, %add3A_147 : vector<1024x128xf32>
    %mul3A_149 = arith.constant 5.000000e-01 : f32
    %mul3A_150 = vector.broadcast %mul3A_149 : f32 to vector<1024x128xf32>
    %mul3A_151 = arith.mulf %mul3A_150, %add3A_148 : vector<1024x128xf32>
    %concatenate3A = tpu.concatenate %get3A_1, %mul3A_9, %mul3A_19, %mul3A_151 in 1 : vector<1024x128xf32>, vector<1024x128xf32>, vector<1024x128xf32>, vector<1024x128xf32> -> vector<1024x512xf32>
    %get3A_152 = arith.constant 0 : index
    %get3A_153 = arith.constant 0 : index
    %get3A_154 = vector.load %arg11[%get3A_152, %get3A_153] : memref<384x512xf32, #tpu.memory_space<vmem>>, vector<384x512xf32>
    %dot_general3A = arith.constant dense<0.000000e+00> : vector<1024x384xf32>
    %dot_general3A_155 = tpu.matmul %concatenate3A, %get3A_154, %dot_general3A {dimension_numbers = #tpu.dot_dimension_numbers<[1], [1], [0], [0], [0, 0, 1, 0], [], []>, transpose_lhs_hint = false} : vector<1024x512xf32>, vector<384x512xf32>, vector<1024x384xf32> -> vector<1024x384xf32>
    %get3A_156 = arith.constant 0 : index
    %get3A_157 = arith.constant 0 : index
    %get3A_158 = vector.load %arg13[%get3A_156, %get3A_157] : memref<1x384xf32, #tpu.memory_space<vmem>>, vector<1x384xf32>
    %add3A_159 = vector.broadcast %get3A_158 : vector<1x384xf32> to vector<1024x384xf32>
    %add3A_160 = arith.addf %dot_general3A_155, %add3A_159 : vector<1024x384xf32>
    %get3A_161 = arith.constant 0 : index
    %get3A_162 = arith.constant 0 : index
    %get3A_163 = vector.load %arg12[%get3A_161, %get3A_162] : memref<384x128xf32, #tpu.memory_space<vmem>>, vector<384x128xf32>
    %dot_general3A_164 = arith.constant dense<0.000000e+00> : vector<1024x384xf32>
    %dot_general3A_165 = tpu.matmul %get3A_1, %get3A_163, %dot_general3A_164 {dimension_numbers = #tpu.dot_dimension_numbers<[1], [1], [0], [0], [0, 0, 1, 0], [], []>, transpose_lhs_hint = false} : vector<1024x128xf32>, vector<384x128xf32>, vector<1024x384xf32> -> vector<1024x384xf32>
    %get3A_166 = arith.constant 0 : index
    %get3A_167 = arith.constant 0 : index
    %get3A_168 = vector.load %arg14[%get3A_166, %get3A_167] : memref<1x384xf32, #tpu.memory_space<vmem>>, vector<1x384xf32>
    %add3A_169 = vector.broadcast %get3A_168 : vector<1x384xf32> to vector<1024x384xf32>
    %add3A_170 = arith.addf %dot_general3A_165, %add3A_169 : vector<1024x384xf32>
    %slice3A = vector.extract_strided_slice %add3A_160 {offsets = [0, 0], sizes = [1024, 128], strides = [1, 1]} : vector<1024x384xf32> to vector<1024x128xf32>
    %slice3A_171 = vector.extract_strided_slice %add3A_170 {offsets = [0, 0], sizes = [1024, 128], strides = [1, 1]} : vector<1024x384xf32> to vector<1024x128xf32>
    %add3A_172 = arith.addf %slice3A, %slice3A_171 : vector<1024x128xf32>
    %logistic3A = arith.negf %add3A_172 : vector<1024x128xf32>
    %logistic3A_173 = math.exp %logistic3A : vector<1024x128xf32>
    %logistic3A_174 = arith.constant 1.000000e+00 : f32
    %logistic3A_175 = vector.broadcast %logistic3A_174 : f32 to vector<1024x128xf32>
    %logistic3A_176 = arith.addf %logistic3A_175, %logistic3A_173 : vector<1024x128xf32>
    %logistic3A_177 = arith.divf %logistic3A_175, %logistic3A_176 : vector<1024x128xf32>
    %slice3A_178 = vector.extract_strided_slice %add3A_160 {offsets = [0, 128], sizes = [1024, 128], strides = [1, 1]} : vector<1024x384xf32> to vector<1024x128xf32>
    %slice3A_179 = vector.extract_strided_slice %add3A_170 {offsets = [0, 128], sizes = [1024, 128], strides = [1, 1]} : vector<1024x384xf32> to vector<1024x128xf32>
    %add3A_180 = arith.addf %slice3A_178, %slice3A_179 : vector<1024x128xf32>
    %logistic3A_181 = arith.negf %add3A_180 : vector<1024x128xf32>
    %logistic3A_182 = math.exp %logistic3A_181 : vector<1024x128xf32>
    %logistic3A_183 = arith.constant 1.000000e+00 : f32
    %logistic3A_184 = vector.broadcast %logistic3A_183 : f32 to vector<1024x128xf32>
    %logistic3A_185 = arith.addf %logistic3A_184, %logistic3A_182 : vector<1024x128xf32>
    %logistic3A_186 = arith.divf %logistic3A_184, %logistic3A_185 : vector<1024x128xf32>
    %slice3A_187 = vector.extract_strided_slice %add3A_160 {offsets = [0, 256], sizes = [1024, 128], strides = [1, 1]} : vector<1024x384xf32> to vector<1024x128xf32>
    %slice3A_188 = vector.extract_strided_slice %add3A_170 {offsets = [0, 256], sizes = [1024, 128], strides = [1, 1]} : vector<1024x384xf32> to vector<1024x128xf32>
    %mul3A_189 = arith.mulf %logistic3A_177, %slice3A_188 : vector<1024x128xf32>
    %add3A_190 = arith.addf %slice3A_187, %mul3A_189 : vector<1024x128xf32>
    %tanh3A = math.tanh %add3A_190 : vector<1024x128xf32>
    %sub3A_191 = arith.constant 1.000000e+00 : f32
    %sub3A_192 = vector.broadcast %sub3A_191 : f32 to vector<1024x128xf32>
    %sub3A_193 = arith.subf %sub3A_192, %logistic3A_186 : vector<1024x128xf32>
    %mul3A_194 = arith.mulf %sub3A_193, %tanh3A : vector<1024x128xf32>
    %mul3A_195 = arith.mulf %logistic3A_186, %get3A_1 : vector<1024x128xf32>
    %add3A_196 = arith.addf %mul3A_194, %mul3A_195 : vector<1024x128xf32>
    %swap3A = arith.constant 0 : index
    %swap3A_197 = arith.constant 0 : index
    %swap3A_198 = vector.load %arg15[%swap3A, %swap3A_197] : memref<1024x128xf32, #tpu.memory_space<vmem>>, vector<1024x128xf32>
    tpu.vector_store %arg15[%swap3A, %swap3A_197], %add3A_196 {strides = array<i32>} : memref<1024x128xf32, #tpu.memory_space<vmem>>, vector<1024x128xf32>,
    return
  }
  func.func @transform_0(%arg0: i32) -> (i32, i32) {
    %c0_i32 = arith.constant 0 : i32
    %c0_i32_0 = arith.constant 0 : i32
    return %arg0, %c0_i32 : i32, i32
  }
  func.func @transform_1(%arg0: i32) -> (i32, i32) {
    %c0_i32 = arith.constant 0 : i32
    %c0_i32_0 = arith.constant 0 : i32
    return %arg0, %c0_i32 : i32, i32
  }
  func.func @transform_2(%arg0: i32) -> (i32, i32) {
    %c0_i32 = arith.constant 0 : i32
    %c0_i32_0 = arith.constant 0 : i32
    return %arg0, %c0_i32 : i32, i32
  }
  func.func @transform_3(%arg0: i32) -> (i32, i32) {
    %c0_i32 = arith.constant 0 : i32
    %c0_i32_0 = arith.constant 0 : i32
    return %arg0, %c0_i32 : i32, i32
  }
  func.func @transform_4(%arg0: i32) -> (i32, i32) {
    %c0_i32 = arith.constant 0 : i32
    %c0_i32_0 = arith.constant 0 : i32
    return %arg0, %c0_i32 : i32, i32
  }
  func.func @transform_5(%arg0: i32) -> (i32, i32, i32) {
    %c0_i32 = arith.constant 0 : i32
    %c0_i32_0 = arith.constant 0 : i32
    %c0_i32_1 = arith.constant 0 : i32
    return %arg0, %c0_i32, %c0_i32_0 : i32, i32, i32
  }
  func.func @transform_6(%arg0: i32) -> (i32, i32, i32) {
    %c0_i32 = arith.constant 0 : i32
    %c0_i32_0 = arith.constant 0 : i32
    %c0_i32_1 = arith.constant 0 : i32
    return %arg0, %c0_i32, %c0_i32_0 : i32, i32, i32
  }
  func.func @transform_7(%arg0: i32) -> (i32, i32, i32) {
    %c0_i32 = arith.constant 0 : i32
    %c0_i32_0 = arith.constant 0 : i32
    %c0_i32_1 = arith.constant 0 : i32
    return %arg0, %c0_i32, %c0_i32_0 : i32, i32, i32
  }
  func.func @transform_8(%arg0: i32) -> (i32, i32) {
    %c0_i32 = arith.constant 0 : i32
    %c0_i32_0 = arith.constant 0 : i32
    %c0_i32_1 = arith.constant 0 : i32
    return %c0_i32, %c0_i32_0 : i32, i32
  }
  func.func @transform_9(%arg0: i32) -> (i32, i32) {
    %c0_i32 = arith.constant 0 : i32
    %c0_i32_0 = arith.constant 0 : i32
    %c0_i32_1 = arith.constant 0 : i32
    return %c0_i32, %c0_i32_0 : i32, i32
  }
  func.func @transform_10(%arg0: i32) -> (i32, i32) {
    %c0_i32 = arith.constant 0 : i32
    %c0_i32_0 = arith.constant 0 : i32
    %c0_i32_1 = arith.constant 0 : i32
    return %c0_i32, %c0_i32_0 : i32, i32
  }
  func.func @transform_11(%arg0: i32) -> (i32, i32) {
    %c0_i32 = arith.constant 0 : i32
    %c0_i32_0 = arith.constant 0 : i32
    %c0_i32_1 = arith.constant 0 : i32
    return %c0_i32, %c0_i32_0 : i32, i32
  }
  func.func @transform_12(%arg0: i32) -> (i32, i32) {
    %c0_i32 = arith.constant 0 : i32
    %c0_i32_0 = arith.constant 0 : i32
    %c0_i32_1 = arith.constant 0 : i32
    return %c0_i32, %c0_i32_0 : i32, i32
  }
  func.func @transform_13(%arg0: i32) -> (i32, i32) {
    %c0_i32 = arith.constant 0 : i32
    %c0_i32_0 = arith.constant 0 : i32
    %c0_i32_1 = arith.constant 0 : i32
    return %c0_i32, %c0_i32_0 : i32, i32
  }
  func.func @transform_14(%arg0: i32) -> (i32, i32) {
    %c0_i32 = arith.constant 0 : i32
    %c0_i32_0 = arith.constant 0 : i32
    return %arg0, %c0_i32 : i32, i32
  }
}

</mosaic_0001>

<sc_bundles>
// kernel: kernel.12.cloned.1.call-start
scs
__scs_entry_jumppad:
0x0: {  	(pc) =	sbr.rel $0x88, $3  }
0x1: {  	(tag) =	ssettag $0x0;
	lr =	simm.s32 $0x1  }
0x2: {  	[smem:$0x3F92] =	sst lr;
	_ =	strace $0xD0000000  }
0x3: {  	_ = 	snop  }
0x4: {  	_ = 	snop  }
0x5: {  	_ = 	snop  }
0x6: {  	_ = 	snop  }
0x7: {  	_ = 	snop  }
__scs_overlays_trampoline_lowered:
0x8: {  	[smem:$0x3FA1] =	sst s0  }
0x9: {  	[smem:$0x3FA2] =	sst s1  }
0xa: {  	[smem:$0x3FA3] =	sst s2  }
0xb: {  	[smem:$0x3FA4] =	sst s3  }
0xc: {  	[smem:$0x3FA5] =	sst s4  }
0xd: {  	[smem:$0x3FA6] =	sst s5  }
0xe: {  	[smem:$0x3FA7] =	sst s6  }
0xf: {  	[smem:$0x3FA8] =	sst s7  }
0x10: {  	[smem:$0x3FA9] =	sst s8  }
0x11: {  	[smem:$0x3FAA] =	sst s9;
	s0 =	simm.s32 @!p0 $0x0  }
0x12: {  	s1 =	sld [smem:$0x3F90];
	s0 =	simm.s32 @p0 $0x1  }
0x13: {  	[smem:$0x3FAB] =	sst s0;
	s0 =	simm.s32 @!p1 $0x0  }
0x14: {  	s2 =	sld [smem:$0x3F8F];
	s0 =	simm.s32 @p1 $0x1  }
0x15: {  	[smem:$0x3FAC] =	sst s0;
	s0 =	simm.s32 @!p2 $0x0  }
0x16: {  	s3 =	sld [smem:$0x3FDB];
	s0 =	simm.s32 @p2 $0x1  }
0x17: {  	s4 =	simm.s32 $0x1BF5;
	[smem:$0x3FAE] =	sst s0  }
0x18: {  	s0 =	sld [smem:$0x3F91];
	_ =	swait.ge [sflag:s4], $0x0  }
0x19: {  	s7 =	sld [smem:$0x3F92]  }
0x1a: {  	s8 =	sadd.s32 $0xFFFFE003, lr  }
0x1b: {  	s9 =	sadd.s32 $0xFFFFFEF7, lr;
	s5 =	simm.s32 $0xFFFFFFFF;
	p2 =	slt.u32 s8, $0xFFFFF086  }
0x1c: {  	p1 =	slt.u32 s9, $0xF7A;
	s5 =	simm.s32 @!p2 $0x0  }
0x1d: {  	s5 =	simm.s32 @p1 $0x1;
	p0 =	seq.s32 s7, s2  }
0x1e: {  	s7 =	smul.u32 @!p0 $0xF7A, s2;
	p2 =	seq.s32 @!p0 s5, $0x0  }
0x1f: {  	s9 =	smul.u32 $0xF7A, s1;
	s8 =	simm.s32 @!p0 $0x1BF5;
	p2 =	por !p2, p0  }
0x20: {  	[sflag:s8] =	ssyncset.s32 @!p0 $0xFFFFF086;
	s6 =	sadd.s32 @!p0 s3, s7;
	s7 =	simm.s32 @!p0 $0x108  }
0x21: {  	s3 =	sadd.s32 s3, s9;
	s6 =	sadd.s32 @!p0 $0x88, s6;
	s7 =	simm.s32 @p2 $0x1082  }
0x22: {  	[simem:s7], [sflag:s8] =	dma.local @!p0 [hbm:s6], $0xF7A  }
0x23: {  	s9 =	sor.u32 $0xD0000000, s2;
	s6 =	simm.s32 $0x108;
	_ =	swait.ge @!p0 [sflag:s8], $0x0  }
0x24: {  	s3 =	sadd.s32 $0x88, s3;
	s6 =	simm.s32 @!p1 $0x1082;
	[sflag:s4] =	ssyncset.s32 $0xFFFFF086  }
0x25: {  	[simem:s6], [sflag:s4] =	dma.local [hbm:s3], $0xF7A  }
0x26: {  	[smem:$0x3F92] =	sst s1;
	(tag) =	ssettag s2;
	_ =	strace s9  }
0x27: {  	s1 =	sld [smem:$0x3FA2]  }
0x28: {  	s2 =	sld [smem:$0x3FA3]  }
0x29: {  	s4 =	sld [smem:$0x3FA5]  }
0x2a: {  	p0 =	seq.s32 s5, $0x0;
	s5 =	sld [smem:$0x3FA6]  }
0x2b: {  	s6 =	sld [smem:$0x3FA7]  }
0x2c: {  	s7 =	sld [smem:$0x3FA8]  }
0x2d: {  	s3 =	simm.s32 $0x108;
	s8 =	sld [smem:$0x3FA9]  }
0x2e: {  	s3 =	simm.s32 @!p0 $0x1082;
	s9 =	sld [smem:$0x3FAA]  }
0x2f: {  	lr =	sadd.s32 s0, s3;
	s0 =	sld [smem:$0x3FA1]  }
0x30: {  	s3 =	sld [smem:$0x3FA4]  }
0x31: {  	[smem:$0x3FAD] =	sst s10  }
0x32: {  	s10 =	sld [smem:$0x3FAB];
	_ =	sdelay $0x3  }
0x33: {  	p0 =	seq.s32 s10, $0x1;
	s10 =	sld [smem:$0x3FAD];
	_ =	sdelay $0x3  }
0x34: {  	[smem:$0x3FAD] =	sst s10  }
0x35: {  	s10 =	sld [smem:$0x3FAC];
	_ =	sdelay $0x3  }
0x36: {  	p1 =	seq.s32 s10, $0x1;
	s10 =	sld [smem:$0x3FAD];
	_ =	sdelay $0x3  }
0x37: {  	[smem:$0x3FAD] =	sst s10  }
0x38: {  	s10 =	sld [smem:$0x3FAE]  }
0x39: {  	_ = 	snop;
	(pc) =	sbr.ind lr, $3  }
0x3a: {  	_ = 	snop  }
0x3b: {  	_ = 	snop  }
0x3c: {  	p2 =	seq.s32 s10, $0x1;
	s10 =	sld [smem:$0x3FAD]  }
0x3d: {  	_ =	shalt  }
0x3e: {  	_ =	shalt  }
0x3f: {  	_ =	shalt  }
0x40: {  	_ =	shalt  }
0x41: {  	_ =	shalt  }
0x42: {  	_ =	shalt  }
0x43: {  	_ =	shalt  }
0x44: {  	_ =	shalt  }
0x45: {  	_ =	shalt  }
0x46: {  	_ =	shalt  }
0x47: {  	_ =	shalt  }
0x48: {  	_ =	shalt  }
0x49: {  	_ =	shalt  }
0x4a: {  	_ =	shalt  }
0x4b: {  	_ =	shalt  }
0x4c: {  	_ =	shalt  }
0x4d: {  	_ =	shalt  }
0x4e: {  	_ =	shalt  }
0x4f: {  	_ =	shalt  }
0x50: {  	_ =	shalt  }
0x51: {  	_ =	shalt  }
0x52: {  	_ =	shalt  }
0x53: {  	_ =	shalt  }
0x54: {  	_ =	shalt  }
0x55: {  	_ =	shalt  }
0x56: {  	_ =	shalt  }
0x57: {  	_ =	shalt  }
0x58: {  	_ =	shalt  }
0x59: {  	_ =	shalt  }
0x5a: {  	_ =	shalt  }
0x5b: {  	_ =	shalt  }
0x5c: {  	_ =	shalt  }
0x5d: {  	_ =	shalt  }
0x5e: {  	_ =	shalt  }
0x5f: {  	_ =	shalt  }
0x60: {  	_ =	shalt  }
0x61: {  	_ =	shalt  }
0x62: {  	_ =	shalt  }
0x63: {  	_ =	shalt  }
0x64: {  	_ =	shalt  }
0x65: {  	_ =	shalt  }
0x66: {  	_ =	shalt  }
0x67: {  	_ =	shalt  }
0x68: {  	_ =	shalt  }
0x69: {  	_ =	shalt  }
0x6a: {  	_ =	shalt  }
0x6b: {  	_ =	shalt  }
0x6c: {  	_ =	shalt  }
0x6d: {  	_ =	shalt  }
0x6e: {  	_ =	shalt  }
0x6f: {  	_ =	shalt  }
0x70: {  	_ =	shalt  }
0x71: {  	_ =	shalt  }
0x72: {  	_ =	shalt  }
0x73: {  	_ =	shalt  }
0x74: {  	_ =	shalt  }
0x75: {  	_ =	shalt  }
0x76: {  	_ =	shalt  }
0x77: {  	_ =	shalt  }
0x78: {  	_ =	shalt  }
0x79: {  	_ =	shalt  }
0x7a: {  	_ =	shalt  }
0x7b: {  	_ =	shalt  }
0x7c: {  	_ =	shalt  }
0x7d: {  	_ =	shalt  }
0x7e: {  	_ =	shalt  }
0x7f: {  	_ =	shalt  }
0x80: {  	_ =	shalt  }
0x81: {  	_ =	shalt  }
0x82: {  	_ =	shalt  }
0x83: {  	_ =	shalt  }
0x84: {  	_ =	shalt  }
0x85: {  	_ =	shalt  }
0x86: {  	_ =	shalt  }
0x87: {  	_ =	shalt  }
.Lfunc_end0:
.L_simem_size_0:
called_computation.2_lowered:
.L_overlay_start_0:
0x88: {  	s2 =	sld [smem:$0x3FD9]  }
0x89: {  	s3 =	sld [smem:$0x3FFE];
	_ =	sdelay $0x1  }
0x8a: {  	s1 =	srdreg.scid  }
0x8b: {  	s0 =	sand.u32 $0x1, s1  }
0x8c: {  	s14 =	sshll.u32 s0, $0xA;
	s2 =	sadd.s32 s3, s2  }
0x8d: {  	s2 =	sadd.s32 s2, s14  }
0x8e: {  	[smem:$0x3FB9] =	sst s2  }
0x8f: {  	_ = 	snop  }
0x90: {  	s2 =	sld [smem:$0x3FD0];
	_ =	sdelay $0x2  }
0x91: {  	s4 =	simm.s32 $0xA;
	s5 =	simm.s32 $0x10;
	s15 =	sld [smem:$0x3FC9]  }
0x92: {  	[smem:s5], [sflag:s4] =	dma.local [hbm:s2], $0x1  }
0x93: {  	_ =	swait.eq [sflag:s4], $0x1  }
0x94: {  	[sflag:s4] =	ssyncset.done $0x0  }
0x95: {  	[sflag:s4] =	ssyncadd.s32 $0xFFFFFFFF  }
0x96: {  	s16 =	sld [smem:$0x11];
	(tm) =	ssettm $0x1  }
0x97: {  	s17 =	sld [smem:$0x3FFB];
	_ =	sdelay $0x3  }
0x98: {  	_ =	strace s17  }
0x99: {  	s4 =	sld [smem:$0x3FFC];
	_ =	sdelay $0x3  }
0x9a: {  	_ =	strace s4  }
0x9b: {  	s4 =	sld [smem:$0x3FFD];
	_ =	sdelay $0x3  }
0x9c: {  	_ =	strace s4  }
0x9d: {  	_ =	strace $0x8FFFFFFF  }
0x9e: {  	s18 =	sld [smem:$0x3FDB];
	_ =	sdelay $0x1  }
0x9f: {  	s19 =	simm.s32 $_scs_section_size  }
0xa0: {  	s6 =	simm.s32 $_size__tile_overlayer_lowered;
	s7 =	simm.s32 $_tile_overlayer_lowered  }
0xa1: {  	s22 =	simm.s32 $0x1BFF;
	s21 =	sshll.u32 s7, $0x1;
	s4 =	sadd.s32 s19, s18  }
0xa2: {  	s8 =	simm.s32 $0x0;
	s20 =	sshll.u32 s6, $0x1;
	s6 =	sadd.s32 s21, s4  }
0xa3: {  	[timem:s8], [sflag:s22] =	dma.local [hbm:s6], s20  }
0xa4: {  	_ =	swait.ge [sflag:s22], s20  }
0xa5: {  	s5 =	ssub.s32 $0x0, s20;
	[sflag:s22] =	ssyncset.done $0x0  }
0xa6: {  	[sflag:s22] =	ssyncadd.s32 s5;
	_ =	sdelay $0x1  }
0xa7: {  	s23 =	simm.s32 $0x1B8B  }
0xa8: {  	_ =	swait.ge [sflag:s23], $0x1  }
0xa9: {  	[sflag:s23] =	ssyncset.done $0x0  }
0xaa: {  	s25 =	simm.s32 $0x1B8E;
	s24 =	sld [smem:$0x3FFE];
	[sflag:s23] =	ssyncadd.s32 $0xFFFFFFFF  }
0xab: {  	s26 =	simm.s32 $execute0_lowered;
	[smem:$0x3FD2] =	sst s25  }
0xac: {  	s6 =	sshll.u32 s26, $0x1;
	_ =	strace $0x8000004C;
	[dreg:$0x1] =	wrdreg $0xFFFFFFFF  }
0xad: {  	s28 =	simm.s32 $_size_execute0_lowered;
	s4 =	sadd.s32 s4, s6;
	[dreg:$0x0] =	wrdreg $0x0  }
0xae: {  	s6 =	sshll.u32 s28, $0x1;
	[dreg:$0x2] =	wrdreg s4  }
0xaf: {  	[dreg:$0x3] =	wrdreg s6  }
0xb0: {  	[dreg:$0x4] =	wrdreg $0xC0  }
0xb1: {  	_ =	task [dreg:s8], $0x5FFFF  }
0xb2: {  	[dreg:$0x1] =	wrdreg $0xFFFFFFFF  }
0xb3: {  	[dreg:$0x0] =	wrdreg $0x60  }
0xb4: {  	[dreg:$0x2] =	wrdreg s24  }
0xb5: {  	[dreg:$0x3] =	wrdreg s15  }
0xb6: {  	[dreg:$0x4] =	wrdreg s16  }
0xb7: {  	[dreg:$0x5] =	wrdreg $0x9  }
0xb8: {  	_ =	task.clear_ibuf [dreg:s8], $0x6FFFF;
	_ =	strace $0x9000004C  }
0xb9: {  	s29 =	simm.s32 $0x9;
	_ =	strace $0x8000004E  }
0xba: {  	_ =	swait.ge [sflag:s29], $0x1  }
0xbb: {  	[sflag:s29] =	ssyncadd.s32 $0xFFFFFFFF  }
0xbc: {  	_ =	strace $0x9000004E  }
0xbd: {  	_ =	sfence  }
0xbe: {  	s30 =	sld [smem:$0x0];
	_ =	sdelay $0x2  }
0xbf: {  	s31 =	sshll.u32 s1, $0xD;
	s1 =	sshrl.u32 s1, $0x2  }
0xc0: {  	s3 =	sand.u32 $0x4000, s31;
	s1 =	sadd.s32 s1, s30  }
0xc1: {  	s0 =	sor.u32 s3, s0;
	s1 =	sshll.u32 s1, $0x11  }
0xc2: {  	s0 =	sor.u32 s1, s0  }
0xc3: {  	s0 =	sadd.s32 $0x8F2B, s0  }
0xc4: {  	[sflag:s0] =	ssyncadd.remote.s32 $0x1  }
0xc5: {  	_ =	sfence.sel $0xFFFF  }
0xc6: {  	[dreg:$0x0] =	wrdreg $0xFFFFFFFF;
	(pc) =	sbr.abs _section_cstart, $3  }
0xc7: {  	[dreg:$0x1] =	wrdreg $0xFFFFFFFF  }
0xc8: {  	_ =	task.clear_ibuf [dreg:s8], $0x2FFFF;
	_ =	strace $0x9FFFFFFF  }
0xc9: {  	(tm) =	ssettm $0x7FFFFFFF  }
tec
execute0_lowered:
.L_overlay_start_1:
0x0: {  	(tag) =	ssettag $0x1  }
0x1: {  	s5 =	rddreg [dreg:$0x0]  }
0x2: {  	s3 =	rddreg [dreg:$0x1]  }
0x3: {  	s14 =	rddreg [dreg:$0x2];
	s2 =	srdreg.scid  }
0x4: {  	s0 =	rddreg [dreg:$0x3];
	s1 =	stileid.u32;
	s15 =	sand.u32 $0x1, s2  }
0x5: {  	s2 =	simm.s32 $0x0;
	s4 =	sshll.u32 s1, $0x7;
	s6 =	sshll.u32 s15, $0x6  }
0x6: {  	[smem:$0x7FF] =	sst s2;
	s16 =	sor.u32 s6, s4  }
0x7: {  	_ =	strace $0x8000004D;
	s4 =	sadd.s32 s3, s16;
	s3 =	simm.s32 $0x2  }
0x8: {  	[tilespmem:s2], [sflag:$0x2] =	stream.linear.gather [hbm4b:s4+s2], $0x200, $0x38;
	[tilespmem:$0x400] =	vst v63  }
0x9: {  	_ =	swait.ge [sflag:s3], $0x200  }
0xa: {  	s7 =	simm.s32 $0x200;
	[sflag:s3] =	ssyncset.done $0x0  }
0xb: {  	s5 =	sadd.s32 $0x82E00, s5;
	s6 =	simm.s32 $0x80;
	[sflag:s3] =	ssyncadd.s32 $0xFFFFFE00  }
0xc: {  	[tilespmem:s7], [sflag:$0x1] =	stream.indirect.gather [hbm4b:s5+s6], $0x1, s2, s6, $0xb8;
	[tilespmem:$0x400] =	vst v63  }
0xd: {  	s8 =	simm.s32 $0x280  }
0xe: {  	[tilespmem:s8], [sflag:$0x1] =	stream.indirect.gather [hbm4b:s5+s6], $0x1, s6, s6, $0xb8;
	[tilespmem:$0x400] =	vst v63  }
0xf: {  	s9 =	simm.s32 $0x100;
	s10 =	simm.s32 $0x300  }
0x10: {  	[tilespmem:s10], [sflag:$0x1] =	stream.indirect.gather [hbm4b:s5+s6], $0x1, s9, s6, $0xb8;
	[tilespmem:$0x400] =	vst v63  }
0x11: {  	s11 =	simm.s32 $0x180;
	s12 =	simm.s32 $0x380;
	s13 =	simm.s32 $0x1  }
0x12: {  	[tilespmem:s12], [sflag:$0x1] =	stream.indirect.gather [hbm4b:s5+s6], $0x1, s11, s6, $0xb8;
	[tilespmem:$0x400] =	vst v63  }
0x13: {  	_ =	swait.ge [sflag:s13], $0x80  }
0x14: {  	[sflag:s13] =	ssyncset.done $0x0  }
0x15: {  	[sflag:s13] =	ssyncadd.s32 $0xFFFFFF80  }
0x16: {  	_ =	swait.ge [sflag:s13], $0x80  }
0x17: {  	[sflag:s13] =	ssyncset.done $0x0  }
0x18: {  	s15 =	ssub.s32 $0x2, s15;
	[sflag:s13] =	ssyncadd.s32 $0xFFFFFF80  }
0x19: {  	s17 =	sshrl.u32 s15, $0x1;
	_ =	swait.ge [sflag:s13], $0x80  }
0x1a: {  	s15 =	ssub.s32 s15, s17;
	[sflag:s13] =	ssyncset.done $0x0  }
0x1b: {  	s15 =	smax.u32 s15, $0x1;
	[sflag:s13] =	ssyncadd.s32 $0xFFFFFF80  }
0x1c: {  	p0 =	sne.s32 s15, $0x1;
	_ =	swait.ge [sflag:s13], $0x80  }
.Ltmp0:
0x1d: {  	[sflag:s13] =	ssyncset.done $0x0;
	(pc) =	sbr.rel @!p0 .LBB2_2-.Ltmp0, $4  }
0x1e: {  	s14 =	sadd.s32 s14, s16;
	[sflag:s13] =	ssyncadd.s32 $0xFFFFFF80  }
0x1f: {  	[hbm4b:s14+s2] =	stream.linear.scatter [tilespmem:s7], [sflag:$0x2], $0x200, $0x38;
	[tilespmem:$0x400] =	vst v63  }
0x20: {  	_ =	swait.ge [sflag:s3], $0x200  }
0x21: {  	s15 =	sadd.s32 $0xFFFFFFFF, s15;
	[sflag:s3] =	ssyncset.done $0x0  }
.LBB2_1:
0x22: {  	p0 =	sne.s32 s15, $0x1;
	s15 =	sadd.s32 $0xFFFFFFFF, s15;
	[sflag:s3] =	ssyncadd.s32 $0xFFFFFE00  }
0x23: {  	[tilespmem:s2], [sflag:$0x2] =	stream.linear.gather [hbm4b:s4+s2], $0x200, $0x38;
	[tilespmem:$0x400] =	vst v63  }
0x24: {  	_ =	swait.ge [sflag:s3], $0x200  }
0x25: {  	[sflag:s3] =	ssyncset.done $0x0  }
0x26: {  	[sflag:s3] =	ssyncadd.s32 $0xFFFFFE00  }
0x27: {  	[tilespmem:s7], [sflag:$0x1] =	stream.indirect.gather [hbm4b:s5+s6], $0x1, s2, s6, $0xb8;
	[tilespmem:$0x400] =	vst v63  }
0x28: {  	_ = 	snop  }
0x29: {  	[tilespmem:s8], [sflag:$0x1] =	stream.indirect.gather [hbm4b:s5+s6], $0x1, s6, s6, $0xb8;
	[tilespmem:$0x400] =	vst v63  }
0x2a: {  	_ = 	snop  }
0x2b: {  	[tilespmem:s10], [sflag:$0x1] =	stream.indirect.gather [hbm4b:s5+s6], $0x1, s9, s6, $0xb8;
	[tilespmem:$0x400] =	vst v63  }
0x2c: {  	_ = 	snop  }
0x2d: {  	[tilespmem:s12], [sflag:$0x1] =	stream.indirect.gather [hbm4b:s5+s6], $0x1, s11, s6, $0xb8;
	[tilespmem:$0x400] =	vst v63  }
0x2e: {  	_ =	swait.ge [sflag:s13], $0x80  }
0x2f: {  	[sflag:s13] =	ssyncset.done $0x0  }
0x30: {  	[sflag:s13] =	ssyncadd.s32 $0xFFFFFF80  }
0x31: {  	_ =	swait.ge [sflag:s13], $0x80  }
0x32: {  	[sflag:s13] =	ssyncset.done $0x0  }
0x33: {  	[sflag:s13] =	ssyncadd.s32 $0xFFFFFF80  }
0x34: {  	_ =	swait.ge [sflag:s13], $0x80  }
0x35: {  	[sflag:s13] =	ssyncset.done $0x0  }
0x36: {  	[sflag:s13] =	ssyncadd.s32 $0xFFFFFF80  }
0x37: {  	_ =	swait.ge [sflag:s13], $0x80  }
.Ltmp1:
0x38: {  	[sflag:s13] =	ssyncset.done $0x0;
	(pc) =	sbr.rel @p0 .LBB2_1-.Ltmp1, $4  }
0x39: {  	[sflag:s13] =	ssyncadd.s32 $0xFFFFFF80  }
0x3a: {  	[hbm4b:s14+s2] =	stream.linear.scatter [tilespmem:s7], [sflag:$0x2], $0x200, $0x38;
	[tilespmem:$0x400] =	vst v63  }
0x3b: {  	_ =	swait.ge [sflag:s3], $0x200  }
0x3c: {  	[sflag:s3] =	ssyncset.done $0x0  }
.LBB2_2:
0x3d: {  	[sflag:s3] =	ssyncadd.s32 $0xFFFFFE00  }
0x3e: {  	_ =	sfence.sel $0x180000  }
0x3f: {  	[bflag:$0x0] =	sbarrier.arrive $0xFFFF  }
0x40: {  	p0 =	sne.s32 s1, $0x0;
	_ =	strace $0x9000004D  }
0x41: {  	s0 =	sadd.s32 @!p0 $0x100000, s0;
	[bflag:$0x2] =	sbarrier.arrive $0xFFFF  }
0x42: {  	[sflag:s0] =	ssyncadd.tile.s32 @!p0 $0x1;
	_ =	shalt  }
.Lfunc_end2:
_tile_overlayer_lowered:
.L_overlay_start_2:
0x43: {  	(tag) =	ssettag $0x2  }
0x44: {  	s0 =	rddreg [dreg:$0x0];
	s2 =	stileid.u32  }
0x45: {  	s1 =	rddreg [dreg:$0x1];
	p0 =	sne.s32 s2, $0x0  }
0x46: {  	s3 =	rddreg [dreg:$0x2];
	[bflag:$0x3] =	sbarrier.arrive $0xFFFF;
	s2 =	simm.s32 @!p0 $0x1C02  }
0x47: {  	[timem:s3], [sflag:s2] =	dma.local @!p0 [hbm:s0], s1  }
0x48: {  	s0 =	simm.s32 @!p0 $0x2  }
0x49: {  	_ =	swait.ge @!p0 [sflag:s0], s1  }
0x4a: {  	s1 =	ssub.s32 @!p0 $0x0, s1;
	[sflag:s0] =	ssyncset.done @!p0 $0x0  }
0x4b: {  	[sflag:s0] =	ssyncadd.s32 @!p0 s1  }
0x4c: {  	[bflag:$0x3] =	sbarrier.arrive $0xFFFF  }
0x4d: {  	_ =	shalt  }

// kernel: kernel.6.cloned.1.call-start
scs
__scs_entry_jumppad:
0x0: {  	(pc) =	sbr.rel $0x88, $3  }
0x1: {  	(tag) =	ssettag $0x0;
	lr =	simm.s32 $0x1  }
0x2: {  	[smem:$0x3F92] =	sst lr;
	_ =	strace $0xD0000000  }
0x3: {  	_ = 	snop  }
0x4: {  	_ = 	snop  }
0x5: {  	_ = 	snop  }
0x6: {  	_ = 	snop  }
0x7: {  	_ = 	snop  }
__scs_overlays_trampoline_lowered:
0x8: {  	[smem:$0x3FA1] =	sst s0  }
0x9: {  	[smem:$0x3FA2] =	sst s1  }
0xa: {  	[smem:$0x3FA3] =	sst s2  }
0xb: {  	[smem:$0x3FA4] =	sst s3  }
0xc: {  	[smem:$0x3FA5] =	sst s4  }
0xd: {  	[smem:$0x3FA6] =	sst s5  }
0xe: {  	[smem:$0x3FA7] =	sst s6  }
0xf: {  	[smem:$0x3FA8] =	sst s7  }
0x10: {  	[smem:$0x3FA9] =	sst s8  }
0x11: {  	[smem:$0x3FAA] =	sst s9;
	s0 =	simm.s32 @!p0 $0x0  }
0x12: {  	s1 =	sld [smem:$0x3F90];
	s0 =	simm.s32 @p0 $0x1  }
0x13: {  	[smem:$0x3FAB] =	sst s0;
	s0 =	simm.s32 @!p1 $0x0  }
0x14: {  	s2 =	sld [smem:$0x3F8F];
	s0 =	simm.s32 @p1 $0x1  }
0x15: {  	[smem:$0x3FAC] =	sst s0;
	s0 =	simm.s32 @!p2 $0x0  }
0x16: {  	s3 =	sld [smem:$0x3FDB];
	s0 =	simm.s32 @p2 $0x1  }
0x17: {  	s4 =	simm.s32 $0x1BF5;
	[smem:$0x3FAE] =	sst s0  }
0x18: {  	s0 =	sld [smem:$0x3F91];
	_ =	swait.ge [sflag:s4], $0x0  }
0x19: {  	s7 =	sld [smem:$0x3F92]  }
0x1a: {  	s8 =	sadd.s32 $0xFFFFE003, lr  }
0x1b: {  	s9 =	sadd.s32 $0xFFFFFEF7, lr;
	s5 =	simm.s32 $0xFFFFFFFF;
	p2 =	slt.u32 s8, $0xFFFFF086  }
0x1c: {  	p1 =	slt.u32 s9, $0xF7A;
	s5 =	simm.s32 @!p2 $0x0  }
0x1d: {  	s5 =	simm.s32 @p1 $0x1;
	p0 =	seq.s32 s7, s2  }
0x1e: {  	s7 =	smul.u32 @!p0 $0xF7A, s2;
	p2 =	seq.s32 @!p0 s5, $0x0  }
0x1f: {  	s9 =	smul.u32 $0xF7A, s1;
	s8 =	simm.s32 @!p0 $0x1BF5;
	p2 =	por !p2, p0  }
0x20: {  	[sflag:s8] =	ssyncset.s32 @!p0 $0xFFFFF086;
	s6 =	sadd.s32 @!p0 s3, s7;
	s7 =	simm.s32 @!p0 $0x108  }
0x21: {  	s3 =	sadd.s32 s3, s9;
	s6 =	sadd.s32 @!p0 $0x88, s6;
	s7 =	simm.s32 @p2 $0x1082  }
0x22: {  	[simem:s7], [sflag:s8] =	dma.local @!p0 [hbm:s6], $0xF7A  }
0x23: {  	s9 =	sor.u32 $0xD0000000, s2;
	s6 =	simm.s32 $0x108;
	_ =	swait.ge @!p0 [sflag:s8], $0x0  }
0x24: {  	s3 =	sadd.s32 $0x88, s3;
	s6 =	simm.s32 @!p1 $0x1082;
	[sflag:s4] =	ssyncset.s32 $0xFFFFF086  }
0x25: {  	[simem:s6], [sflag:s4] =	dma.local [hbm:s3], $0xF7A  }
0x26: {  	[smem:$0x3F92] =	sst s1;
	(tag) =	ssettag s2;
	_ =	strace s9  }
0x27: {  	s1 =	sld [smem:$0x3FA2]  }
0x28: {  	s2 =	sld [smem:$0x3FA3]  }
0x29: {  	s4 =	sld [smem:$0x3FA5]  }
0x2a: {  	p0 =	seq.s32 s5, $0x0;
	s5 =	sld [smem:$0x3FA6]  }
0x2b: {  	s6 =	sld [smem:$0x3FA7]  }
0x2c: {  	s7 =	sld [smem:$0x3FA8]  }
0x2d: {  	s3 =	simm.s32 $0x108;
	s8 =	sld [smem:$0x3FA9]  }
0x2e: {  	s3 =	simm.s32 @!p0 $0x1082;
	s9 =	sld [smem:$0x3FAA]  }
0x2f: {  	lr =	sadd.s32 s0, s3;
	s0 =	sld [smem:$0x3FA1]  }
0x30: {  	s3 =	sld [smem:$0x3FA4]  }
0x31: {  	[smem:$0x3FAD] =	sst s10  }
0x32: {  	s10 =	sld [smem:$0x3FAB];
	_ =	sdelay $0x3  }
0x33: {  	p0 =	seq.s32 s10, $0x1;
	s10 =	sld [smem:$0x3FAD];
	_ =	sdelay $0x3  }
0x34: {  	[smem:$0x3FAD] =	sst s10  }
0x35: {  	s10 =	sld [smem:$0x3FAC];
	_ =	sdelay $0x3  }
0x36: {  	p1 =	seq.s32 s10, $0x1;
	s10 =	sld [smem:$0x3FAD];
	_ =	sdelay $0x3  }
0x37: {  	[smem:$0x3FAD] =	sst s10  }
0x38: {  	s10 =	sld [smem:$0x3FAE]  }
0x39: {  	_ = 	snop;
	(pc) =	sbr.ind lr, $3  }
0x3a: {  	_ = 	snop  }
0x3b: {  	_ = 	snop  }
0x3c: {  	p2 =	seq.s32 s10, $0x1;
	s10 =	sld [smem:$0x3FAD]  }
0x3d: {  	_ =	shalt  }
0x3e: {  	_ =	shalt  }
0x3f: {  	_ =	shalt  }
0x40: {  	_ =	shalt  }
0x41: {  	_ =	shalt  }
0x42: {  	_ =	shalt  }
0x43: {  	_ =	shalt  }
0x44: {  	_ =	shalt  }
0x45: {  	_ =	shalt  }
0x46: {  	_ =	shalt  }
0x47: {  	_ =	shalt  }
0x48: {  	_ =	shalt  }
0x49: {  	_ =	shalt  }
0x4a: {  	_ =	shalt  }
0x4b: {  	_ =	shalt  }
0x4c: {  	_ =	shalt  }
0x4d: {  	_ =	shalt  }
0x4e: {  	_ =	shalt  }
0x4f: {  	_ =	shalt  }
0x50: {  	_ =	shalt  }
0x51: {  	_ =	shalt  }
0x52: {  	_ =	shalt  }
0x53: {  	_ =	shalt  }
0x54: {  	_ =	shalt  }
0x55: {  	_ =	shalt  }
0x56: {  	_ =	shalt  }
0x57: {  	_ =	shalt  }
0x58: {  	_ =	shalt  }
0x59: {  	_ =	shalt  }
0x5a: {  	_ =	shalt  }
0x5b: {  	_ =	shalt  }
0x5c: {  	_ =	shalt  }
0x5d: {  	_ =	shalt  }
0x5e: {  	_ =	shalt  }
0x5f: {  	_ =	shalt  }
0x60: {  	_ =	shalt  }
0x61: {  	_ =	shalt  }
0x62: {  	_ =	shalt  }
0x63: {  	_ =	shalt  }
0x64: {  	_ =	shalt  }
0x65: {  	_ =	shalt  }
0x66: {  	_ =	shalt  }
0x67: {  	_ =	shalt  }
0x68: {  	_ =	shalt  }
0x69: {  	_ =	shalt  }
0x6a: {  	_ =	shalt  }
0x6b: {  	_ =	shalt  }
0x6c: {  	_ =	shalt  }
0x6d: {  	_ =	shalt  }
0x6e: {  	_ =	shalt  }
0x6f: {  	_ =	shalt  }
0x70: {  	_ =	shalt  }
0x71: {  	_ =	shalt  }
0x72: {  	_ =	shalt  }
0x73: {  	_ =	shalt  }
0x74: {  	_ =	shalt  }
0x75: {  	_ =	shalt  }
0x76: {  	_ =	shalt  }
0x77: {  	_ =	shalt  }
0x78: {  	_ =	shalt  }
0x79: {  	_ =	shalt  }
0x7a: {  	_ =	shalt  }
0x7b: {  	_ =	shalt  }
0x7c: {  	_ =	shalt  }
0x7d: {  	_ =	shalt  }
0x7e: {  	_ =	shalt  }
0x7f: {  	_ =	shalt  }
0x80: {  	_ =	shalt  }
0x81: {  	_ =	shalt  }
0x82: {  	_ =	shalt  }
0x83: {  	_ =	shalt  }
0x84: {  	_ =	shalt  }
0x85: {  	_ =	shalt  }
0x86: {  	_ =	shalt  }
0x87: {  	_ =	shalt  }
.Lfunc_end0:
.L_simem_size_0:
called_computation_lowered:
.L_overlay_start_0:
0x88: {  	s2 =	sld [smem:$0x3FD9]  }
0x89: {  	s3 =	sld [smem:$0x3FFE];
	_ =	sdelay $0x1  }
0x8a: {  	s1 =	srdreg.scid  }
0x8b: {  	s0 =	sand.u32 $0x1, s1  }
0x8c: {  	s14 =	sshll.u32 s0, $0xA;
	s2 =	sadd.s32 s3, s2  }
0x8d: {  	s2 =	sadd.s32 s2, s14  }
0x8e: {  	[smem:$0x3FB9] =	sst s2  }
0x8f: {  	_ = 	snop  }
0x90: {  	s2 =	sld [smem:$0x3FC9]  }
0x91: {  	s15 =	sld [smem:$0x3FC8]  }
0x92: {  	s4 =	sld [smem:$0x3FD0]  }
0x93: {  	s5 =	sld [smem:$0x3FC7]  }
0x94: {  	s6 =	sld [smem:$0x3FC2]  }
0x95: {  	s8 =	simm.s32 $0xA;
	s9 =	simm.s32 $0x10;
	s7 =	sld [smem:$0x3FC1]  }
0x96: {  	[smem:s9], [sflag:s8] =	dma.local [hbm:s4], $0x1  }
0x97: {  	_ =	swait.eq [sflag:s8], $0x1  }
0x98: {  	[sflag:s8] =	ssyncset.done $0x0  }
0x99: {  	[sflag:s8] =	ssyncadd.s32 $0xFFFFFFFF  }
0x9a: {  	s16 =	sld [smem:$0x10];
	(tm) =	ssettm $0x1  }
0x9b: {  	s17 =	sld [smem:$0x3FFB];
	_ =	sdelay $0x3  }
0x9c: {  	_ =	strace s17  }
0x9d: {  	s8 =	sld [smem:$0x3FFC];
	_ =	sdelay $0x3  }
0x9e: {  	_ =	strace s8  }
0x9f: {  	s8 =	sld [smem:$0x3FFD];
	_ =	sdelay $0x3  }
0xa0: {  	_ =	strace s8  }
0xa1: {  	_ =	strace $0x8FFFFFFF  }
0xa2: {  	s18 =	sld [smem:$0x3FDB];
	_ =	sdelay $0x1  }
0xa3: {  	s19 =	simm.s32 $_scs_section_size  }
0xa4: {  	s10 =	simm.s32 $_size__tile_overlayer_lowered;
	s11 =	simm.s32 $_tile_overlayer_lowered  }
0xa5: {  	s22 =	simm.s32 $0x1BFF;
	s21 =	sshll.u32 s11, $0x1;
	s8 =	sadd.s32 s19, s18  }
0xa6: {  	s12 =	simm.s32 $0x0;
	s20 =	sshll.u32 s10, $0x1;
	s10 =	sadd.s32 s21, s8  }
0xa7: {  	[timem:s12], [sflag:s22] =	dma.local [hbm:s10], s20  }
0xa8: {  	_ =	swait.ge [sflag:s22], s20  }
0xa9: {  	s9 =	ssub.s32 $0x0, s20;
	[sflag:s22] =	ssyncset.done $0x0  }
0xaa: {  	[sflag:s22] =	ssyncadd.s32 s9;
	_ =	sdelay $0x1  }
0xab: {  	s23 =	simm.s32 $0x1B8B  }
0xac: {  	_ =	swait.ge [sflag:s23], $0x1  }
0xad: {  	[sflag:s23] =	ssyncset.done $0x0  }
0xae: {  	s25 =	simm.s32 $0x1B8E;
	s24 =	sld [smem:$0x3FFE];
	[sflag:s23] =	ssyncadd.s32 $0xFFFFFFFF  }
0xaf: {  	s26 =	simm.s32 $execute0_lowered;
	[smem:$0x3FD2] =	sst s25  }
0xb0: {  	s10 =	sshll.u32 s26, $0x1;
	_ =	strace $0x80000046;
	[dreg:$0x1] =	wrdreg $0xFFFFFFFF  }
0xb1: {  	s28 =	simm.s32 $_size_execute0_lowered;
	s8 =	sadd.s32 s8, s10;
	[dreg:$0x0] =	wrdreg $0x0  }
0xb2: {  	s10 =	sshll.u32 s28, $0x1;
	[dreg:$0x2] =	wrdreg s8  }
0xb3: {  	[dreg:$0x3] =	wrdreg s10  }
0xb4: {  	[dreg:$0x4] =	wrdreg $0xC0  }
0xb5: {  	_ =	task [dreg:s12], $0x5FFFF  }
0xb6: {  	[dreg:$0x1] =	wrdreg $0xFFFFFFFF  }
0xb7: {  	[dreg:$0x0] =	wrdreg $0x60  }
0xb8: {  	[dreg:$0x2] =	wrdreg s6  }
0xb9: {  	[dreg:$0x3] =	wrdreg s7  }
0xba: {  	[dreg:$0x4] =	wrdreg s2  }
0xbb: {  	[dreg:$0x5] =	wrdreg s15  }
0xbc: {  	[dreg:$0x6] =	wrdreg s5  }
0xbd: {  	[dreg:$0x7] =	wrdreg s16  }
0xbe: {  	[dreg:$0x8] =	wrdreg s24  }
0xbf: {  	[dreg:$0x9] =	wrdreg $0x9  }
0xc0: {  	_ =	task.clear_ibuf [dreg:s12], $0xAFFFF;
	_ =	strace $0x90000046  }
0xc1: {  	s29 =	simm.s32 $0x9;
	_ =	strace $0x80000048  }
0xc2: {  	_ =	swait.ge [sflag:s29], $0x1  }
0xc3: {  	[sflag:s29] =	ssyncadd.s32 $0xFFFFFFFF  }
0xc4: {  	_ =	strace $0x90000048  }
0xc5: {  	_ =	sfence  }
0xc6: {  	s30 =	sld [smem:$0x0];
	_ =	sdelay $0x2  }
0xc7: {  	s31 =	sshll.u32 s1, $0xD;
	s1 =	sshrl.u32 s1, $0x2  }
0xc8: {  	s3 =	sand.u32 $0x4000, s31;
	s1 =	sadd.s32 s1, s30  }
0xc9: {  	s0 =	sor.u32 s3, s0;
	s1 =	sshll.u32 s1, $0x11  }
0xca: {  	s0 =	sor.u32 s1, s0  }
0xcb: {  	s0 =	sadd.s32 $0x8F2B, s0  }
0xcc: {  	[sflag:s0] =	ssyncadd.remote.s32 $0x1  }
0xcd: {  	_ =	sfence.sel $0xFFFF  }
0xce: {  	[dreg:$0x0] =	wrdreg $0xFFFFFFFF;
	(pc) =	sbr.abs _section_cstart, $3  }
0xcf: {  	[dreg:$0x1] =	wrdreg $0xFFFFFFFF  }
0xd0: {  	_ =	task.clear_ibuf [dreg:s12], $0x2FFFF;
	_ =	strace $0x9FFFFFFF  }
0xd1: {  	(tm) =	ssettm $0x7FFFFFFF  }
tec
execute0_lowered:
.L_overlay_start_1:
0x0: {  	(tag) =	ssettag $0x1  }
0x1: {  	s2 =	rddreg [dreg:$0x0]  }
0x2: {  	s19 =	rddreg [dreg:$0x1]  }
0x3: {  	s0 =	rddreg [dreg:$0x2]  }
0x4: {  	s1 =	rddreg [dreg:$0x3]  }
0x5: {  	s4 =	rddreg [dreg:$0x4];
	s3 =	srdreg.scid  }
0x6: {  	s5 =	rddreg [dreg:$0x5];
	s8 =	stileid.u32  }
0x7: {  	s7 =	rddreg [dreg:$0x6];
	s18 =	simm.s32 $0x200;
	s26 =	simm.s32 $0x600  }
0x8: {  	s29 =	simm.s32 $0x680;
	s24 =	simm.s32 $0x100;
	s30 =	simm.s32 $0x700  }
0x9: {  	s25 =	simm.s32 $0x180;
	s31 =	simm.s32 $0x780;
	s12 =	simm.s32 $0x8800  }
0xa: {  	s13 =	simm.s32 $0xC800;
	p0 =	por $0x0, $0x0;
	s15 =	simm.s32 $0x480  }
0xb: {  	s16 =	simm.s32 $0x500;
	s17 =	simm.s32 $0x580;
	s6 =	sand.u32 $0x1, s3  }
0xc: {  	s8 =	sshll.u32 s8, $0xA;
	s3 =	simm.s32 $0x0;
	s9 =	sshll.u32 s6, $0x9  }
0xd: {  	[smem:$0x7FF] =	sst s3;
	s6 =	ssub.s32 $0x2, s6;
	s8 =	sor.u32 s9, s8  }
0xe: {  	_ =	strace $0x80000047;
	s11 =	sshrl.u32 s6, $0x1;
	s9 =	sshll.u32 s8, $0x4  }
0xf: {  	s8 =	sshrl.u32 s8, $0x3;
	s21 =	ssub.s32 s6, s11;
	s6 =	simm.s32 $0x1  }
0x10: {  	s11 =	simm.s32 $0x4800;
	s10 =	sadd.s32 s9, s7;
	s7 =	sadd.s32 s8, s7  }
0x11: {  	s0 =	sadd.s32 s0, s8;
	s20 =	sadd.s32 s1, s8;
	s22 =	smax.u32 s21, $0x1  }
0x12: {  	s28 =	sadd.s32 s4, s8;
	s14 =	sadd.s32 s5, s9;
	p1 =	sne.s32 s22, $0x1  }
.Ltmp0:
0x13: {  	s4 =	simm.s32 $0x2;
	[dreg:$0x8] =	wrdreg s0;
	(pc) =	sbr.rel @!p1 .LBB2_3-.Ltmp0, $4  }
0x14: {  	s8 =	simm.s32 $0x80;
	s21 =	simm.s32 $0x300;
	[dreg:$0x9] =	wrdreg s20  }
0x15: {  	s23 =	sadd.s32 $0x42600, s7;
	s9 =	sadd.s32 $0x2600, s10;
	s5 =	sadd.s32 $0x42E00, s10  }
0x16: {  	s10 =	simm.s32 $0x400;
	s7 =	simm.s32 $0x800;
	s1 =	sadd.s32 $0xFFFFFFFF, s22  }
0x17: {  	s20 =	simm.s32 $0x280;
	s22 =	simm.s32 $0x380;
	s0 =	rddreg [dreg:$0x8]  }
0x18: {  	[tilespmem:s3], [sflag:$0x2] =	stream.linear.gather [hbm4b:s0+s3], $0x200, $0x38;
	[tilespmem:$0x10800] =	vst v63  }
0x19: {  	_ =	swait.ge [sflag:s4], $0x200  }
0x1a: {  	[sflag:s4] =	ssyncset.done $0x0  }
0x1b: {  	s0 =	rddreg [dreg:$0x9];
	[sflag:s4] =	ssyncadd.s32 $0xFFFFFE00  }
0x1c: {  	[tilespmem:s18], [sflag:$0x2] =	stream.linear.gather [hbm4b:s0+s3], $0x200, $0x38;
	[tilespmem:$0x10800] =	vst v63  }
0x1d: {  	_ =	swait.ge [sflag:s4], $0x200  }
0x1e: {  	[sflag:s4] =	ssyncset.done $0x0  }
0x1f: {  	[sflag:s4] =	ssyncadd.s32 $0xFFFFFE00  }
0x20: {  	[tilespmem:s10], [sflag:$0x2] =	stream.linear.gather [hbm4b:s28+s3], $0x200, $0x38;
	[tilespmem:$0x10800] =	vst v63  }
0x21: {  	_ =	swait.ge [sflag:s4], $0x200  }
0x22: {  	[sflag:s4] =	ssyncset.done $0x0  }
0x23: {  	[sflag:s4] =	ssyncadd.s32 $0xFFFFFE00  }
0x24: {  	[tilespmem:s26], [sflag:$0x1] =	stream.indirect.gather [hbm4b:s19+s8], $0x1, s3, s8, $0xb8;
	[tilespmem:$0x10800] =	vst v63  }
0x25: {  	_ = 	snop  }
0x26: {  	[tilespmem:s29], [sflag:$0x1] =	stream.indirect.gather [hbm4b:s19+s8], $0x1, s8, s8, $0xb8;
	[tilespmem:$0x10800] =	vst v63  }
0x27: {  	_ = 	snop  }
0x28: {  	[tilespmem:s30], [sflag:$0x1] =	stream.indirect.gather [hbm4b:s19+s8], $0x1, s24, s8, $0xb8;
	[tilespmem:$0x10800] =	vst v63  }
0x29: {  	_ = 	snop  }
0x2a: {  	[tilespmem:s31], [sflag:$0x1] =	stream.indirect.gather [hbm4b:s19+s8], $0x1, s25, s8, $0xb8;
	[tilespmem:$0x10800] =	vst v63  }
0x2b: {  	_ =	swait.ge [sflag:s6], $0x80  }
0x2c: {  	[sflag:s6] =	ssyncset.done $0x0  }
0x2d: {  	[sflag:s6] =	ssyncadd.s32 $0xFFFFFF80  }
0x2e: {  	_ =	swait.ge [sflag:s6], $0x80  }
0x2f: {  	[sflag:s6] =	ssyncset.done $0x0  }
0x30: {  	[sflag:s6] =	ssyncadd.s32 $0xFFFFFF80  }
0x31: {  	_ =	swait.ge [sflag:s6], $0x80  }
0x32: {  	[sflag:s6] =	ssyncset.done $0x0  }
0x33: {  	[sflag:s6] =	ssyncadd.s32 $0xFFFFFF80  }
0x34: {  	_ =	swait.ge [sflag:s6], $0x80  }
0x35: {  	[sflag:s6] =	ssyncset.done $0x0  }
0x36: {  	[sflag:s6] =	ssyncadd.s32 $0xFFFFFF80  }
0x37: {  	[hbm4b:s23+s3] =	stream.linear.scatter [tilespmem:s26], [sflag:$0x2], $0x200, $0x38;
	[tilespmem:$0x10800] =	vst v63  }
0x38: {  	_ =	swait.ge [sflag:s4], $0x200  }
0x39: {  	[sflag:s4] =	ssyncset.done $0x0  }
0x3a: {  	[sflag:s4] =	ssyncadd.s32 $0xFFFFFE00  }
0x3b: {  	[tilespmem:s7], [sflag:$0x1] =	stream.indirect.gather [hbm4b:s2+s8], $0x80, s3, s8, $0xb8;
	[tilespmem:$0x10800] =	vst v63  }
0x3c: {  	_ = 	snop  }
0x3d: {  	[tilespmem:s11], [sflag:$0x1] =	stream.indirect.gather [hbm4b:s2+s8], $0x80, s8, s8, $0xb8;
	[tilespmem:$0x10800] =	vst v63  }
0x3e: {  	_ = 	snop  }
0x3f: {  	[tilespmem:s12], [sflag:$0x1] =	stream.indirect.gather [hbm4b:s2+s8], $0x80, s24, s8, $0xb8;
	[tilespmem:$0x10800] =	vst v63  }
0x40: {  	_ = 	snop  }
0x41: {  	[tilespmem:s13], [sflag:$0x1] =	stream.indirect.gather [hbm4b:s2+s8], $0x80, s25, s8, $0xb8;
	[tilespmem:$0x10800] =	vst v63  }
0x42: {  	_ =	swait.ge [sflag:s6], $0x4000  }
0x43: {  	[sflag:s6] =	ssyncset.done $0x0  }
0x44: {  	[sflag:s6] =	ssyncadd.s32 $0xFFFFC000  }
0x45: {  	_ =	swait.ge [sflag:s6], $0x4000  }
0x46: {  	[sflag:s6] =	ssyncset.done $0x0  }
0x47: {  	[sflag:s6] =	ssyncadd.s32 $0xFFFFC000  }
0x48: {  	_ =	swait.ge [sflag:s6], $0x4000  }
0x49: {  	[sflag:s6] =	ssyncset.done $0x0  }
0x4a: {  	[sflag:s6] =	ssyncadd.s32 $0xFFFFC000  }
0x4b: {  	_ =	swait.ge [sflag:s6], $0x4000  }
0x4c: {  	[sflag:s6] =	ssyncset.done $0x0  }
0x4d: {  	[sflag:s6] =	ssyncadd.s32 $0xFFFFC000  }
0x4e: {  	[hbm4b:s14+s3] =	stream.linear.scatter [tilespmem:s7], [sflag:$0x2], $0x10000, $0x38;
	[tilespmem:$0x10800] =	vst v63  }
0x4f: {  	_ =	swait.ge [sflag:s4], $0x10000  }
0x50: {  	[sflag:s4] =	ssyncset.done $0x0  }
0x51: {  	[sflag:s4] =	ssyncadd.s32 $0xFFFF0000  }
0x52: {  	[tilespmem:s7], [sflag:$0x1] =	stream.indirect.gather [hbm4b:s2+s8], $0x80, s18, s8, $0xb8;
	[tilespmem:$0x10800] =	vst v63  }
0x53: {  	_ = 	snop  }
0x54: {  	[tilespmem:s11], [sflag:$0x1] =	stream.indirect.gather [hbm4b:s2+s8], $0x80, s20, s8, $0xb8;
	[tilespmem:$0x10800] =	vst v63  }
0x55: {  	_ = 	snop  }
0x56: {  	[tilespmem:s12], [sflag:$0x1] =	stream.indirect.gather [hbm4b:s2+s8], $0x80, s21, s8, $0xb8;
	[tilespmem:$0x10800] =	vst v63  }
0x57: {  	_ = 	snop  }
0x58: {  	[tilespmem:s13], [sflag:$0x1] =	stream.indirect.gather [hbm4b:s2+s8], $0x80, s22, s8, $0xb8;
	[tilespmem:$0x10800] =	vst v63  }
0x59: {  	_ =	swait.ge [sflag:s6], $0x4000  }
0x5a: {  	[sflag:s6] =	ssyncset.done $0x0  }
0x5b: {  	[sflag:s6] =	ssyncadd.s32 $0xFFFFC000  }
0x5c: {  	_ =	swait.ge [sflag:s6], $0x4000  }
0x5d: {  	[sflag:s6] =	ssyncset.done $0x0  }
0x5e: {  	[sflag:s6] =	ssyncadd.s32 $0xFFFFC000  }
0x5f: {  	_ =	swait.ge [sflag:s6], $0x4000  }
0x60: {  	[sflag:s6] =	ssyncset.done $0x0  }
0x61: {  	[sflag:s6] =	ssyncadd.s32 $0xFFFFC000  }
0x62: {  	_ =	swait.ge [sflag:s6], $0x4000  }
0x63: {  	[sflag:s6] =	ssyncset.done $0x0  }
0x64: {  	[sflag:s6] =	ssyncadd.s32 $0xFFFFC000  }
0x65: {  	[hbm4b:s9+s3] =	stream.linear.scatter [tilespmem:s7], [sflag:$0x2], $0x10000, $0x38;
	[tilespmem:$0x10800] =	vst v63  }
0x66: {  	_ =	swait.ge [sflag:s4], $0x10000  }
0x67: {  	[sflag:s4] =	ssyncset.done $0x0  }
0x68: {  	[sflag:s4] =	ssyncadd.s32 $0xFFFF0000  }
0x69: {  	[tilespmem:s7], [sflag:$0x1] =	stream.indirect.gather [hbm4b:s2+s8], $0x80, s10, s8, $0xb8;
	[tilespmem:$0x10800] =	vst v63  }
0x6a: {  	_ = 	snop  }
0x6b: {  	[tilespmem:s11], [sflag:$0x1] =	stream.indirect.gather [hbm4b:s2+s8], $0x80, s15, s8, $0xb8;
	[tilespmem:$0x10800] =	vst v63  }
0x6c: {  	_ = 	snop  }
0x6d: {  	[tilespmem:s12], [sflag:$0x1] =	stream.indirect.gather [hbm4b:s2+s8], $0x80, s16, s8, $0xb8;
	[tilespmem:$0x10800] =	vst v63  }
0x6e: {  	_ = 	snop  }
0x6f: {  	[tilespmem:s13], [sflag:$0x1] =	stream.indirect.gather [hbm4b:s2+s8], $0x80, s17, s8, $0xb8;
	[tilespmem:$0x10800] =	vst v63  }
0x70: {  	_ =	swait.ge [sflag:s6], $0x4000  }
0x71: {  	[sflag:s6] =	ssyncset.done $0x0  }
0x72: {  	[sflag:s6] =	ssyncadd.s32 $0xFFFFC000  }
0x73: {  	_ =	swait.ge [sflag:s6], $0x4000  }
0x74: {  	[sflag:s6] =	ssyncset.done $0x0  }
0x75: {  	[sflag:s6] =	ssyncadd.s32 $0xFFFFC000  }
0x76: {  	_ =	swait.ge [sflag:s6], $0x4000  }
0x77: {  	[sflag:s6] =	ssyncset.done $0x0  }
0x78: {  	[sflag:s6] =	ssyncadd.s32 $0xFFFFC000  }
0x79: {  	p1 =	sne.s32 s1, $0x1;
	_ =	swait.ge [sflag:s6], $0x4000  }
.Ltmp1:
0x7a: {  	[sflag:s6] =	ssyncset.done $0x0;
	(pc) =	sbr.rel @!p1 .LBB2_3-.Ltmp1, $4  }
0x7b: {  	[sflag:s6] =	ssyncadd.s32 $0xFFFFC000  }
0x7c: {  	[hbm4b:s5+s3] =	stream.linear.scatter [tilespmem:s7], [sflag:$0x2], $0x10000, $0x38;
	[tilespmem:$0x10800] =	vst v63  }
0x7d: {  	s1 =	sadd.s32 $0xFFFFFFFF, s1;
	_ =	swait.ge [sflag:s4], $0x10000  }
0x7e: {  	p0 =	por $0x1, $0x1;
	s0 =	rddreg [dreg:$0x8];
	[sflag:s4] =	ssyncset.done $0x0  }
.LBB2_2:
0x7f: {  	[sflag:s4] =	ssyncadd.s32 $0xFFFF0000  }
0x80: {  	[tilespmem:s3], [sflag:$0x2] =	stream.linear.gather [hbm4b:s0+s3], $0x200, $0x38;
	[tilespmem:$0x10800] =	vst v63  }
0x81: {  	_ =	swait.ge [sflag:s4], $0x200  }
0x82: {  	[sflag:s4] =	ssyncset.done $0x0  }
0x83: {  	s0 =	rddreg [dreg:$0x9];
	[sflag:s4] =	ssyncadd.s32 $0xFFFFFE00  }
0x84: {  	[tilespmem:s18], [sflag:$0x2] =	stream.linear.gather [hbm4b:s0+s3], $0x200, $0x38;
	[tilespmem:$0x10800] =	vst v63  }
0x85: {  	_ =	swait.ge [sflag:s4], $0x200  }
0x86: {  	[sflag:s4] =	ssyncset.done $0x0  }
0x87: {  	[sflag:s4] =	ssyncadd.s32 $0xFFFFFE00  }
0x88: {  	[tilespmem:s10], [sflag:$0x2] =	stream.linear.gather [hbm4b:s28+s3], $0x200, $0x38;
	[tilespmem:$0x10800] =	vst v63  }
0x89: {  	_ =	swait.ge [sflag:s4], $0x200  }
0x8a: {  	[sflag:s4] =	ssyncset.done $0x0  }
0x8b: {  	[sflag:s4] =	ssyncadd.s32 $0xFFFFFE00  }
0x8c: {  	[tilespmem:s26], [sflag:$0x1] =	stream.indirect.gather [hbm4b:s19+s8], $0x1, s3, s8, $0xb8;
	[tilespmem:$0x10800] =	vst v63  }
0x8d: {  	_ = 	snop  }
0x8e: {  	[tilespmem:s29], [sflag:$0x1] =	stream.indirect.gather [hbm4b:s19+s8], $0x1, s8, s8, $0xb8;
	[tilespmem:$0x10800] =	vst v63  }
0x8f: {  	_ = 	snop  }
0x90: {  	[tilespmem:s30], [sflag:$0x1] =	stream.indirect.gather [hbm4b:s19+s8], $0x1, s24, s8, $0xb8;
	[tilespmem:$0x10800] =	vst v63  }
0x91: {  	_ = 	snop  }
0x92: {  	[tilespmem:s31], [sflag:$0x1] =	stream.indirect.gather [hbm4b:s19+s8], $0x1, s25, s8, $0xb8;
	[tilespmem:$0x10800] =	vst v63  }
0x93: {  	_ =	swait.ge [sflag:s6], $0x80  }
0x94: {  	[sflag:s6] =	ssyncset.done $0x0  }
0x95: {  	[sflag:s6] =	ssyncadd.s32 $0xFFFFFF80  }
0x96: {  	_ =	swait.ge [sflag:s6], $0x80  }
0x97: {  	[sflag:s6] =	ssyncset.done $0x0  }
0x98: {  	[sflag:s6] =	ssyncadd.s32 $0xFFFFFF80  }
0x99: {  	_ =	swait.ge [sflag:s6], $0x80  }
0x9a: {  	[sflag:s6] =	ssyncset.done $0x0  }
0x9b: {  	[sflag:s6] =	ssyncadd.s32 $0xFFFFFF80  }
0x9c: {  	_ =	swait.ge [sflag:s6], $0x80  }
0x9d: {  	[sflag:s6] =	ssyncset.done $0x0  }
0x9e: {  	[sflag:s6] =	ssyncadd.s32 $0xFFFFFF80  }
0x9f: {  	[hbm4b:s23+s3] =	stream.linear.scatter [tilespmem:s26], [sflag:$0x2], $0x200, $0x38;
	[tilespmem:$0x10800] =	vst v63  }
0xa0: {  	_ =	swait.ge [sflag:s4], $0x200  }
0xa1: {  	[sflag:s4] =	ssyncset.done $0x0  }
0xa2: {  	[sflag:s4] =	ssyncadd.s32 $0xFFFFFE00  }
0xa3: {  	[tilespmem:s7], [sflag:$0x1] =	stream.indirect.gather [hbm4b:s2+s8], $0x80, s3, s8, $0xb8;
	[tilespmem:$0x10800] =	vst v63  }
0xa4: {  	_ = 	snop  }
0xa5: {  	[tilespmem:s11], [sflag:$0x1] =	stream.indirect.gather [hbm4b:s2+s8], $0x80, s8, s8, $0xb8;
	[tilespmem:$0x10800] =	vst v63  }
0xa6: {  	_ = 	snop  }
0xa7: {  	[tilespmem:s12], [sflag:$0x1] =	stream.indirect.gather [hbm4b:s2+s8], $0x80, s24, s8, $0xb8;
	[tilespmem:$0x10800] =	vst v63  }
0xa8: {  	_ = 	snop  }
0xa9: {  	[tilespmem:s13], [sflag:$0x1] =	stream.indirect.gather [hbm4b:s2+s8], $0x80, s25, s8, $0xb8;
	[tilespmem:$0x10800] =	vst v63  }
0xaa: {  	_ =	swait.ge [sflag:s6], $0x4000  }
0xab: {  	[sflag:s6] =	ssyncset.done $0x0  }
0xac: {  	[sflag:s6] =	ssyncadd.s32 $0xFFFFC000  }
0xad: {  	_ =	swait.ge [sflag:s6], $0x4000  }
0xae: {  	[sflag:s6] =	ssyncset.done $0x0  }
0xaf: {  	[sflag:s6] =	ssyncadd.s32 $0xFFFFC000  }
0xb0: {  	_ =	swait.ge [sflag:s6], $0x4000  }
0xb1: {  	[sflag:s6] =	ssyncset.done $0x0  }
0xb2: {  	[sflag:s6] =	ssyncadd.s32 $0xFFFFC000  }
0xb3: {  	_ =	swait.ge [sflag:s6], $0x4000  }
0xb4: {  	[sflag:s6] =	ssyncset.done $0x0  }
0xb5: {  	[sflag:s6] =	ssyncadd.s32 $0xFFFFC000  }
0xb6: {  	[hbm4b:s14+s3] =	stream.linear.scatter [tilespmem:s7], [sflag:$0x2], $0x10000, $0x38;
	[tilespmem:$0x10800] =	vst v63  }
0xb7: {  	_ =	swait.ge [sflag:s4], $0x10000  }
0xb8: {  	[sflag:s4] =	ssyncset.done $0x0  }
0xb9: {  	[sflag:s4] =	ssyncadd.s32 $0xFFFF0000  }
0xba: {  	[tilespmem:s7], [sflag:$0x1] =	stream.indirect.gather [hbm4b:s2+s8], $0x80, s18, s8, $0xb8;
	[tilespmem:$0x10800] =	vst v63  }
0xbb: {  	_ = 	snop  }
0xbc: {  	[tilespmem:s11], [sflag:$0x1] =	stream.indirect.gather [hbm4b:s2+s8], $0x80, s20, s8, $0xb8;
	[tilespmem:$0x10800] =	vst v63  }
0xbd: {  	_ = 	snop  }
0xbe: {  	[tilespmem:s12], [sflag:$0x1] =	stream.indirect.gather [hbm4b:s2+s8], $0x80, s21, s8, $0xb8;
	[tilespmem:$0x10800] =	vst v63  }
0xbf: {  	_ = 	snop  }
0xc0: {  	[tilespmem:s13], [sflag:$0x1] =	stream.indirect.gather [hbm4b:s2+s8], $0x80, s22, s8, $0xb8;
	[tilespmem:$0x10800] =	vst v63  }
0xc1: {  	_ =	swait.ge [sflag:s6], $0x4000  }
0xc2: {  	[sflag:s6] =	ssyncset.done $0x0  }
0xc3: {  	[sflag:s6] =	ssyncadd.s32 $0xFFFFC000  }
0xc4: {  	_ =	swait.ge [sflag:s6], $0x4000  }
0xc5: {  	[sflag:s6] =	ssyncset.done $0x0  }
0xc6: {  	[sflag:s6] =	ssyncadd.s32 $0xFFFFC000  }
0xc7: {  	_ =	swait.ge [sflag:s6], $0x4000  }
0xc8: {  	[sflag:s6] =	ssyncset.done $0x0  }
0xc9: {  	[sflag:s6] =	ssyncadd.s32 $0xFFFFC000  }
0xca: {  	_ =	swait.ge [sflag:s6], $0x4000  }
0xcb: {  	[sflag:s6] =	ssyncset.done $0x0  }
0xcc: {  	[sflag:s6] =	ssyncadd.s32 $0xFFFFC000  }
0xcd: {  	[hbm4b:s9+s3] =	stream.linear.scatter [tilespmem:s7], [sflag:$0x2], $0x10000, $0x38;
	[tilespmem:$0x10800] =	vst v63  }
0xce: {  	_ =	swait.ge [sflag:s4], $0x10000  }
0xcf: {  	[sflag:s4] =	ssyncset.done $0x0  }
0xd0: {  	[sflag:s4] =	ssyncadd.s32 $0xFFFF0000  }
0xd1: {  	[tilespmem:s7], [sflag:$0x1] =	stream.indirect.gather [hbm4b:s2+s8], $0x80, s10, s8, $0xb8;
	[tilespmem:$0x10800] =	vst v63  }
0xd2: {  	_ = 	snop  }
0xd3: {  	[tilespmem:s11], [sflag:$0x1] =	stream.indirect.gather [hbm4b:s2+s8], $0x80, s15, s8, $0xb8;
	[tilespmem:$0x10800] =	vst v63  }
0xd4: {  	_ = 	snop  }
0xd5: {  	[tilespmem:s12], [sflag:$0x1] =	stream.indirect.gather [hbm4b:s2+s8], $0x80, s16, s8, $0xb8;
	[tilespmem:$0x10800] =	vst v63  }
0xd6: {  	_ = 	snop  }
0xd7: {  	[tilespmem:s13], [sflag:$0x1] =	stream.indirect.gather [hbm4b:s2+s8], $0x80, s17, s8, $0xb8;
	[tilespmem:$0x10800] =	vst v63  }
0xd8: {  	_ =	swait.ge [sflag:s6], $0x4000  }
0xd9: {  	[sflag:s6] =	ssyncset.done $0x0  }
0xda: {  	[sflag:s6] =	ssyncadd.s32 $0xFFFFC000  }
0xdb: {  	_ =	swait.ge [sflag:s6], $0x4000  }
0xdc: {  	[sflag:s6] =	ssyncset.done $0x0  }
0xdd: {  	[sflag:s6] =	ssyncadd.s32 $0xFFFFC000  }
0xde: {  	_ =	swait.ge [sflag:s6], $0x4000  }
0xdf: {  	[sflag:s6] =	ssyncset.done $0x0  }
0xe0: {  	[sflag:s6] =	ssyncadd.s32 $0xFFFFC000  }
0xe1: {  	p1 =	sne.s32 s1, $0x1;
	_ =	swait.ge [sflag:s6], $0x4000  }
.Ltmp2:
0xe2: {  	[sflag:s6] =	ssyncset.done $0x0;
	(pc) =	sbr.rel @p1 .LBB2_2-.Ltmp2, $4  }
0xe3: {  	[sflag:s6] =	ssyncadd.s32 $0xFFFFC000  }
0xe4: {  	[hbm4b:s5+s3] =	stream.linear.scatter [tilespmem:s7], [sflag:$0x2], $0x10000, $0x38;
	[tilespmem:$0x10800] =	vst v63  }
0xe5: {  	_ =	swait.ge [sflag:s4], $0x10000  }
0xe6: {  	s1 =	sadd.s32 $0xFFFFFFFF, s1;
	s0 =	rddreg [dreg:$0x8];
	[sflag:s4] =	ssyncset.done $0x0  }
.LBB2_3:
0xe7: {  	[sflag:s4] =	ssyncadd.s32 @p0 $0xFFFF0000  }
0xe8: {  	[tilespmem:s3], [sflag:$0x2] =	stream.linear.gather [hbm4b:s0+s3], $0x200, $0x38;
	[tilespmem:$0x10800] =	vst v63  }
0xe9: {  	_ =	swait.ge [sflag:s4], $0x200  }
0xea: {  	[sflag:s4] =	ssyncset.done $0x0  }
0xeb: {  	s1 =	rddreg [dreg:$0x9];
	[sflag:s4] =	ssyncadd.s32 $0xFFFFFE00  }
0xec: {  	[tilespmem:s18], [sflag:$0x2] =	stream.linear.gather [hbm4b:s1+s3], $0x200, $0x38;
	[tilespmem:$0x10800] =	vst v63  }
0xed: {  	_ =	swait.ge [sflag:s4], $0x200  }
0xee: {  	[sflag:s4] =	ssyncset.done $0x0  }
0xef: {  	[sflag:s4] =	ssyncadd.s32 $0xFFFFFE00  }
0xf0: {  	[tilespmem:s10], [sflag:$0x2] =	stream.linear.gather [hbm4b:s28+s3], $0x200, $0x38;
	[tilespmem:$0x10800] =	vst v63  }
0xf1: {  	_ =	swait.ge [sflag:s4], $0x200  }
0xf2: {  	[sflag:s4] =	ssyncset.done $0x0  }
0xf3: {  	[sflag:s4] =	ssyncadd.s32 $0xFFFFFE00  }
0xf4: {  	[tilespmem:s26], [sflag:$0x1] =	stream.indirect.gather [hbm4b:s19+s8], $0x1, s3, s8, $0xb8;
	[tilespmem:$0x10800] =	vst v63  }
0xf5: {  	_ = 	snop  }
0xf6: {  	[tilespmem:s29], [sflag:$0x1] =	stream.indirect.gather [hbm4b:s19+s8], $0x1, s8, s8, $0xb8;
	[tilespmem:$0x10800] =	vst v63  }
0xf7: {  	_ = 	snop  }
0xf8: {  	[tilespmem:s30], [sflag:$0x1] =	stream.indirect.gather [hbm4b:s19+s8], $0x1, s24, s8, $0xb8;
	[tilespmem:$0x10800] =	vst v63  }
0xf9: {  	_ = 	snop  }
0xfa: {  	[tilespmem:s31], [sflag:$0x1] =	stream.indirect.gather [hbm4b:s19+s8], $0x1, s25, s8, $0xb8;
	[tilespmem:$0x10800] =	vst v63  }
0xfb: {  	_ =	swait.ge [sflag:s6], $0x80  }
0xfc: {  	[sflag:s6] =	ssyncset.done $0x0  }
0xfd: {  	[sflag:s6] =	ssyncadd.s32 $0xFFFFFF80  }
0xfe: {  	_ =	swait.ge [sflag:s6], $0x80  }
0xff: {  	[sflag:s6] =	ssyncset.done $0x0  }
0x100: {  	[sflag:s6] =	ssyncadd.s32 $0xFFFFFF80  }
0x101: {  	_ =	swait.ge [sflag:s6], $0x80  }
0x102: {  	[sflag:s6] =	ssyncset.done $0x0  }
0x103: {  	[sflag:s6] =	ssyncadd.s32 $0xFFFFFF80  }
0x104: {  	_ =	swait.ge [sflag:s6], $0x80  }
0x105: {  	[sflag:s6] =	ssyncset.done $0x0  }
0x106: {  	[sflag:s6] =	ssyncadd.s32 $0xFFFFFF80  }
0x107: {  	[hbm4b:s23+s3] =	stream.linear.scatter [tilespmem:s26], [sflag:$0x2], $0x200, $0x38;
	[tilespmem:$0x10800] =	vst v63  }
0x108: {  	_ =	swait.ge [sflag:s4], $0x200  }
0x109: {  	[sflag:s4] =	ssyncset.done $0x0  }
0x10a: {  	[sflag:s4] =	ssyncadd.s32 $0xFFFFFE00  }
0x10b: {  	[tilespmem:s7], [sflag:$0x1] =	stream.indirect.gather [hbm4b:s2+s8], $0x80, s3, s8, $0xb8;
	[tilespmem:$0x10800] =	vst v63  }
0x10c: {  	_ = 	snop  }
0x10d: {  	[tilespmem:s11], [sflag:$0x1] =	stream.indirect.gather [hbm4b:s2+s8], $0x80, s8, s8, $0xb8;
	[tilespmem:$0x10800] =	vst v63  }
0x10e: {  	_ = 	snop  }
0x10f: {  	[tilespmem:s12], [sflag:$0x1] =	stream.indirect.gather [hbm4b:s2+s8], $0x80, s24, s8, $0xb8;
	[tilespmem:$0x10800] =	vst v63  }
0x110: {  	_ = 	snop  }
0x111: {  	[tilespmem:s13], [sflag:$0x1] =	stream.indirect.gather [hbm4b:s2+s8], $0x80, s25, s8, $0xb8;
	[tilespmem:$0x10800] =	vst v63  }
0x112: {  	_ =	swait.ge [sflag:s6], $0x4000  }
0x113: {  	[sflag:s6] =	ssyncset.done $0x0  }
0x114: {  	[sflag:s6] =	ssyncadd.s32 $0xFFFFC000  }
0x115: {  	_ =	swait.ge [sflag:s6], $0x4000  }
0x116: {  	[sflag:s6] =	ssyncset.done $0x0  }
0x117: {  	[sflag:s6] =	ssyncadd.s32 $0xFFFFC000  }
0x118: {  	_ =	swait.ge [sflag:s6], $0x4000  }
0x119: {  	[sflag:s6] =	ssyncset.done $0x0  }
0x11a: {  	[sflag:s6] =	ssyncadd.s32 $0xFFFFC000  }
0x11b: {  	_ =	swait.ge [sflag:s6], $0x4000  }
0x11c: {  	[sflag:s6] =	ssyncset.done $0x0  }
0x11d: {  	[sflag:s6] =	ssyncadd.s32 $0xFFFFC000  }
0x11e: {  	[hbm4b:s14+s3] =	stream.linear.scatter [tilespmem:s7], [sflag:$0x2], $0x10000, $0x38;
	[tilespmem:$0x10800] =	vst v63  }
0x11f: {  	_ =	swait.ge [sflag:s4], $0x10000  }
0x120: {  	[sflag:s4] =	ssyncset.done $0x0  }
0x121: {  	[sflag:s4] =	ssyncadd.s32 $0xFFFF0000  }
0x122: {  	[tilespmem:s7], [sflag:$0x1] =	stream.indirect.gather [hbm4b:s2+s8], $0x80, s18, s8, $0xb8;
	[tilespmem:$0x10800] =	vst v63  }
0x123: {  	_ = 	snop  }
0x124: {  	[tilespmem:s11], [sflag:$0x1] =	stream.indirect.gather [hbm4b:s2+s8], $0x80, s20, s8, $0xb8;
	[tilespmem:$0x10800] =	vst v63  }
0x125: {  	_ = 	snop  }
0x126: {  	[tilespmem:s12], [sflag:$0x1] =	stream.indirect.gather [hbm4b:s2+s8], $0x80, s21, s8, $0xb8;
	[tilespmem:$0x10800] =	vst v63  }
0x127: {  	_ = 	snop  }
0x128: {  	[tilespmem:s13], [sflag:$0x1] =	stream.indirect.gather [hbm4b:s2+s8], $0x80, s22, s8, $0xb8;
	[tilespmem:$0x10800] =	vst v63  }
0x129: {  	_ =	swait.ge [sflag:s6], $0x4000  }
0x12a: {  	[sflag:s6] =	ssyncset.done $0x0  }
0x12b: {  	[sflag:s6] =	ssyncadd.s32 $0xFFFFC000  }
0x12c: {  	_ =	swait.ge [sflag:s6], $0x4000  }
0x12d: {  	[sflag:s6] =	ssyncset.done $0x0  }
0x12e: {  	[sflag:s6] =	ssyncadd.s32 $0xFFFFC000  }
0x12f: {  	_ =	swait.ge [sflag:s6], $0x4000  }
0x130: {  	[sflag:s6] =	ssyncset.done $0x0  }
0x131: {  	[sflag:s6] =	ssyncadd.s32 $0xFFFFC000  }
0x132: {  	_ =	swait.ge [sflag:s6], $0x4000  }
0x133: {  	[sflag:s6] =	ssyncset.done $0x0  }
0x134: {  	[sflag:s6] =	ssyncadd.s32 $0xFFFFC000  }
0x135: {  	[hbm4b:s9+s3] =	stream.linear.scatter [tilespmem:s7], [sflag:$0x2], $0x10000, $0x38;
	[tilespmem:$0x10800] =	vst v63  }
0x136: {  	_ =	swait.ge [sflag:s4], $0x10000  }
0x137: {  	[sflag:s4] =	ssyncset.done $0x0  }
0x138: {  	[sflag:s4] =	ssyncadd.s32 $0xFFFF0000  }
0x139: {  	[tilespmem:s7], [sflag:$0x1] =	stream.indirect.gather [hbm4b:s2+s8], $0x80, s10, s8, $0xb8;
	[tilespmem:$0x10800] =	vst v63  }
0x13a: {  	_ = 	snop  }
0x13b: {  	[tilespmem:s11], [sflag:$0x1] =	stream.indirect.gather [hbm4b:s2+s8], $0x80, s15, s8, $0xb8;
	[tilespmem:$0x10800] =	vst v63  }
0x13c: {  	_ = 	snop  }
0x13d: {  	[tilespmem:s12], [sflag:$0x1] =	stream.indirect.gather [hbm4b:s2+s8], $0x80, s16, s8, $0xb8;
	[tilespmem:$0x10800] =	vst v63  }
0x13e: {  	_ = 	snop  }
0x13f: {  	[tilespmem:s13], [sflag:$0x1] =	stream.indirect.gather [hbm4b:s2+s8], $0x80, s17, s8, $0xb8;
	[tilespmem:$0x10800] =	vst v63  }
0x140: {  	_ =	swait.ge [sflag:s6], $0x4000  }
0x141: {  	[sflag:s6] =	ssyncset.done $0x0  }
0x142: {  	[sflag:s6] =	ssyncadd.s32 $0xFFFFC000  }
0x143: {  	_ =	swait.ge [sflag:s6], $0x4000  }
0x144: {  	[sflag:s6] =	ssyncset.done $0x0  }
0x145: {  	[sflag:s6] =	ssyncadd.s32 $0xFFFFC000  }
0x146: {  	_ =	swait.ge [sflag:s6], $0x4000  }
0x147: {  	[sflag:s6] =	ssyncset.done $0x0  }
0x148: {  	[sflag:s6] =	ssyncadd.s32 $0xFFFFC000  }
0x149: {  	_ =	swait.ge [sflag:s6], $0x4000  }
0x14a: {  	[sflag:s6] =	ssyncset.done $0x0  }
0x14b: {  	[sflag:s6] =	ssyncadd.s32 $0xFFFFC000  }
0x14c: {  	[hbm4b:s5+s3] =	stream.linear.scatter [tilespmem:s7], [sflag:$0x2], $0x10000, $0x38;
	[tilespmem:$0x10800] =	vst v63  }
0x14d: {  	_ =	swait.ge [sflag:s4], $0x10000  }
0x14e: {  	[sflag:s4] =	ssyncset.done $0x0  }
0x14f: {  	[sflag:s4] =	ssyncadd.s32 $0xFFFF0000  }
0x150: {  	_ =	sfence.sel $0x180000  }
0x151: {  	[bflag:$0x0] =	sbarrier.arrive $0xFFFF  }
0x152: {  	_ =	strace $0x90000047  }
0x153: {  	s31 =	stileid.u32;
	[bflag:$0x2] =	sbarrier.arrive $0xFFFF  }
0x154: {  	p0 =	sne.s32 s31, $0x0;
	s0 =	rddreg [dreg:$0x7]  }
0x155: {  	s0 =	sadd.s32 @!p0 $0x100000, s0  }
0x156: {  	[sflag:s0] =	ssyncadd.tile.s32 @!p0 $0x1;
	_ =	shalt  }
.Lfunc_end2:
_tile_overlayer_lowered:
.L_overlay_start_2:
0x157: {  	(tag) =	ssettag $0x2  }
0x158: {  	s0 =	rddreg [dreg:$0x0];
	s2 =	stileid.u32  }
0x159: {  	s1 =	rddreg [dreg:$0x1];
	p0 =	sne.s32 s2, $0x0  }
0x15a: {  	s3 =	rddreg [dreg:$0x2];
	[bflag:$0x3] =	sbarrier.arrive $0xFFFF;
	s2 =	simm.s32 @!p0 $0x1C02  }
0x15b: {  	[timem:s3], [sflag:s2] =	dma.local @!p0 [hbm:s0], s1  }
0x15c: {  	s0 =	simm.s32 @!p0 $0x2  }
0x15d: {  	_ =	swait.ge @!p0 [sflag:s0], s1  }
0x15e: {  	s1 =	ssub.s32 @!p0 $0x0, s1;
	[sflag:s0] =	ssyncset.done @!p0 $0x0  }
0x15f: {  	[sflag:s0] =	ssyncadd.s32 @!p0 s1  }
0x160: {  	[bflag:$0x3] =	sbarrier.arrive $0xFFFF  }
0x161: {  	_ =	shalt  }

// kernel: kernel.9.cloned.1.call-start
scs
__scs_entry_jumppad:
0x0: {  	(pc) =	sbr.rel $0x88, $3  }
0x1: {  	(tag) =	ssettag $0x0;
	lr =	simm.s32 $0x1  }
0x2: {  	[smem:$0x3F92] =	sst lr;
	_ =	strace $0xD0000000  }
0x3: {  	_ = 	snop  }
0x4: {  	_ = 	snop  }
0x5: {  	_ = 	snop  }
0x6: {  	_ = 	snop  }
0x7: {  	_ = 	snop  }
__scs_overlays_trampoline_lowered:
0x8: {  	[smem:$0x3FA1] =	sst s0  }
0x9: {  	[smem:$0x3FA2] =	sst s1  }
0xa: {  	[smem:$0x3FA3] =	sst s2  }
0xb: {  	[smem:$0x3FA4] =	sst s3  }
0xc: {  	[smem:$0x3FA5] =	sst s4  }
0xd: {  	[smem:$0x3FA6] =	sst s5  }
0xe: {  	[smem:$0x3FA7] =	sst s6  }
0xf: {  	[smem:$0x3FA8] =	sst s7  }
0x10: {  	[smem:$0x3FA9] =	sst s8  }
0x11: {  	[smem:$0x3FAA] =	sst s9;
	s0 =	simm.s32 @!p0 $0x0  }
0x12: {  	s1 =	sld [smem:$0x3F90];
	s0 =	simm.s32 @p0 $0x1  }
0x13: {  	[smem:$0x3FAB] =	sst s0;
	s0 =	simm.s32 @!p1 $0x0  }
0x14: {  	s2 =	sld [smem:$0x3F8F];
	s0 =	simm.s32 @p1 $0x1  }
0x15: {  	[smem:$0x3FAC] =	sst s0;
	s0 =	simm.s32 @!p2 $0x0  }
0x16: {  	s3 =	sld [smem:$0x3FDB];
	s0 =	simm.s32 @p2 $0x1  }
0x17: {  	s4 =	simm.s32 $0x1BF5;
	[smem:$0x3FAE] =	sst s0  }
0x18: {  	s0 =	sld [smem:$0x3F91];
	_ =	swait.ge [sflag:s4], $0x0  }
0x19: {  	s7 =	sld [smem:$0x3F92]  }
0x1a: {  	s8 =	sadd.s32 $0xFFFFE003, lr  }
0x1b: {  	s9 =	sadd.s32 $0xFFFFFEF7, lr;
	s5 =	simm.s32 $0xFFFFFFFF;
	p2 =	slt.u32 s8, $0xFFFFF086  }
0x1c: {  	p1 =	slt.u32 s9, $0xF7A;
	s5 =	simm.s32 @!p2 $0x0  }
0x1d: {  	s5 =	simm.s32 @p1 $0x1;
	p0 =	seq.s32 s7, s2  }
0x1e: {  	s7 =	smul.u32 @!p0 $0xF7A, s2;
	p2 =	seq.s32 @!p0 s5, $0x0  }
0x1f: {  	s9 =	smul.u32 $0xF7A, s1;
	s8 =	simm.s32 @!p0 $0x1BF5;
	p2 =	por !p2, p0  }
0x20: {  	[sflag:s8] =	ssyncset.s32 @!p0 $0xFFFFF086;
	s6 =	sadd.s32 @!p0 s3, s7;
	s7 =	simm.s32 @!p0 $0x108  }
0x21: {  	s3 =	sadd.s32 s3, s9;
	s6 =	sadd.s32 @!p0 $0x88, s6;
	s7 =	simm.s32 @p2 $0x1082  }
0x22: {  	[simem:s7], [sflag:s8] =	dma.local @!p0 [hbm:s6], $0xF7A  }
0x23: {  	s9 =	sor.u32 $0xD0000000, s2;
	s6 =	simm.s32 $0x108;
	_ =	swait.ge @!p0 [sflag:s8], $0x0  }
0x24: {  	s3 =	sadd.s32 $0x88, s3;
	s6 =	simm.s32 @!p1 $0x1082;
	[sflag:s4] =	ssyncset.s32 $0xFFFFF086  }
0x25: {  	[simem:s6], [sflag:s4] =	dma.local [hbm:s3], $0xF7A  }
0x26: {  	[smem:$0x3F92] =	sst s1;
	(tag) =	ssettag s2;
	_ =	strace s9  }
0x27: {  	s1 =	sld [smem:$0x3FA2]  }
0x28: {  	s2 =	sld [smem:$0x3FA3]  }
0x29: {  	s4 =	sld [smem:$0x3FA5]  }
0x2a: {  	p0 =	seq.s32 s5, $0x0;
	s5 =	sld [smem:$0x3FA6]  }
0x2b: {  	s6 =	sld [smem:$0x3FA7]  }
0x2c: {  	s7 =	sld [smem:$0x3FA8]  }
0x2d: {  	s3 =	simm.s32 $0x108;
	s8 =	sld [smem:$0x3FA9]  }
0x2e: {  	s3 =	simm.s32 @!p0 $0x1082;
	s9 =	sld [smem:$0x3FAA]  }
0x2f: {  	lr =	sadd.s32 s0, s3;
	s0 =	sld [smem:$0x3FA1]  }
0x30: {  	s3 =	sld [smem:$0x3FA4]  }
0x31: {  	[smem:$0x3FAD] =	sst s10  }
0x32: {  	s10 =	sld [smem:$0x3FAB];
	_ =	sdelay $0x3  }
0x33: {  	p0 =	seq.s32 s10, $0x1;
	s10 =	sld [smem:$0x3FAD];
	_ =	sdelay $0x3  }
0x34: {  	[smem:$0x3FAD] =	sst s10  }
0x35: {  	s10 =	sld [smem:$0x3FAC];
	_ =	sdelay $0x3  }
0x36: {  	p1 =	seq.s32 s10, $0x1;
	s10 =	sld [smem:$0x3FAD];
	_ =	sdelay $0x3  }
0x37: {  	[smem:$0x3FAD] =	sst s10  }
0x38: {  	s10 =	sld [smem:$0x3FAE]  }
0x39: {  	_ = 	snop;
	(pc) =	sbr.ind lr, $3  }
0x3a: {  	_ = 	snop  }
0x3b: {  	_ = 	snop  }
0x3c: {  	p2 =	seq.s32 s10, $0x1;
	s10 =	sld [smem:$0x3FAD]  }
0x3d: {  	_ =	shalt  }
0x3e: {  	_ =	shalt  }
0x3f: {  	_ =	shalt  }
0x40: {  	_ =	shalt  }
0x41: {  	_ =	shalt  }
0x42: {  	_ =	shalt  }
0x43: {  	_ =	shalt  }
0x44: {  	_ =	shalt  }
0x45: {  	_ =	shalt  }
0x46: {  	_ =	shalt  }
0x47: {  	_ =	shalt  }
0x48: {  	_ =	shalt  }
0x49: {  	_ =	shalt  }
0x4a: {  	_ =	shalt  }
0x4b: {  	_ =	shalt  }
0x4c: {  	_ =	shalt  }
0x4d: {  	_ =	shalt  }
0x4e: {  	_ =	shalt  }
0x4f: {  	_ =	shalt  }
0x50: {  	_ =	shalt  }
0x51: {  	_ =	shalt  }
0x52: {  	_ =	shalt  }
0x53: {  	_ =	shalt  }
0x54: {  	_ =	shalt  }
0x55: {  	_ =	shalt  }
0x56: {  	_ =	shalt  }
0x57: {  	_ =	shalt  }
0x58: {  	_ =	shalt  }
0x59: {  	_ =	shalt  }
0x5a: {  	_ =	shalt  }
0x5b: {  	_ =	shalt  }
0x5c: {  	_ =	shalt  }
0x5d: {  	_ =	shalt  }
0x5e: {  	_ =	shalt  }
0x5f: {  	_ =	shalt  }
0x60: {  	_ =	shalt  }
0x61: {  	_ =	shalt  }
0x62: {  	_ =	shalt  }
0x63: {  	_ =	shalt  }
0x64: {  	_ =	shalt  }
0x65: {  	_ =	shalt  }
0x66: {  	_ =	shalt  }
0x67: {  	_ =	shalt  }
0x68: {  	_ =	shalt  }
0x69: {  	_ =	shalt  }
0x6a: {  	_ =	shalt  }
0x6b: {  	_ =	shalt  }
0x6c: {  	_ =	shalt  }
0x6d: {  	_ =	shalt  }
0x6e: {  	_ =	shalt  }
0x6f: {  	_ =	shalt  }
0x70: {  	_ =	shalt  }
0x71: {  	_ =	shalt  }
0x72: {  	_ =	shalt  }
0x73: {  	_ =	shalt  }
0x74: {  	_ =	shalt  }
0x75: {  	_ =	shalt  }
0x76: {  	_ =	shalt  }
0x77: {  	_ =	shalt  }
0x78: {  	_ =	shalt  }
0x79: {  	_ =	shalt  }
0x7a: {  	_ =	shalt  }
0x7b: {  	_ =	shalt  }
0x7c: {  	_ =	shalt  }
0x7d: {  	_ =	shalt  }
0x7e: {  	_ =	shalt  }
0x7f: {  	_ =	shalt  }
0x80: {  	_ =	shalt  }
0x81: {  	_ =	shalt  }
0x82: {  	_ =	shalt  }
0x83: {  	_ =	shalt  }
0x84: {  	_ =	shalt  }
0x85: {  	_ =	shalt  }
0x86: {  	_ =	shalt  }
0x87: {  	_ =	shalt  }
.Lfunc_end0:
.L_simem_size_0:
called_computation.1_lowered:
.L_overlay_start_0:
0x88: {  	s2 =	sld [smem:$0x3FD9]  }
0x89: {  	s3 =	sld [smem:$0x3FFE];
	_ =	sdelay $0x1  }
0x8a: {  	s1 =	srdreg.scid  }
0x8b: {  	s0 =	sand.u32 $0x1, s1  }
0x8c: {  	s17 =	sshll.u32 s0, $0xA;
	s2 =	sadd.s32 s3, s2  }
0x8d: {  	s2 =	sadd.s32 s2, s17  }
0x8e: {  	[smem:$0x3FB9] =	sst s2  }
0x8f: {  	_ = 	snop  }
0x90: {  	s2 =	sld [smem:$0x3FC9]  }
0x91: {  	s18 =	sld [smem:$0x3FC6]  }
0x92: {  	s4 =	sld [smem:$0x3FC5];
	(tm) =	ssettm $0x1  }
0x93: {  	s5 =	sld [smem:$0x3FFB];
	_ =	sdelay $0x3  }
0x94: {  	_ =	strace s5  }
0x95: {  	s5 =	sld [smem:$0x3FFC];
	_ =	sdelay $0x3  }
0x96: {  	_ =	strace s5  }
0x97: {  	s5 =	sld [smem:$0x3FFD];
	_ =	sdelay $0x3  }
0x98: {  	_ =	strace s5  }
0x99: {  	_ =	strace $0x8FFFFFFF  }
0x9a: {  	s19 =	sld [smem:$0x3FDB];
	_ =	sdelay $0x1  }
0x9b: {  	s6 =	simm.s32 $_scs_section_size  }
0x9c: {  	s7 =	simm.s32 $_size__tile_overlayer_lowered;
	s8 =	simm.s32 $_tile_overlayer_lowered  }
0x9d: {  	s22 =	simm.s32 $0x1BFF;
	s21 =	sshll.u32 s8, $0x1;
	s5 =	sadd.s32 s6, s19  }
0x9e: {  	s9 =	simm.s32 $0x0;
	s20 =	sshll.u32 s7, $0x1;
	s7 =	sadd.s32 s21, s5  }
0x9f: {  	[timem:s9], [sflag:s22] =	dma.local [hbm:s7], s20  }
0xa0: {  	_ =	swait.ge [sflag:s22], s20  }
0xa1: {  	s6 =	ssub.s32 $0x0, s20;
	[sflag:s22] =	ssyncset.done $0x0  }
0xa2: {  	[sflag:s22] =	ssyncadd.s32 s6;
	_ =	sdelay $0x1  }
0xa3: {  	s23 =	simm.s32 $0x1B8B  }
0xa4: {  	_ =	swait.ge [sflag:s23], $0x1  }
0xa5: {  	[sflag:s23] =	ssyncset.done $0x0  }
0xa6: {  	s25 =	simm.s32 $0x1B8E;
	s24 =	sld [smem:$0x3FFE];
	[sflag:s23] =	ssyncadd.s32 $0xFFFFFFFF  }
0xa7: {  	s26 =	simm.s32 $execute0_lowered;
	[smem:$0x3FD2] =	sst s25  }
0xa8: {  	s7 =	sshll.u32 s26, $0x1;
	_ =	strace $0x80000049;
	[dreg:$0x1] =	wrdreg $0xFFFFFFFF  }
0xa9: {  	s28 =	simm.s32 $_size_execute0_lowered;
	s5 =	sadd.s32 s5, s7;
	[dreg:$0x0] =	wrdreg $0x0  }
0xaa: {  	s7 =	sshll.u32 s28, $0x1;
	[dreg:$0x2] =	wrdreg s5  }
0xab: {  	[dreg:$0x3] =	wrdreg s7  }
0xac: {  	[dreg:$0x4] =	wrdreg $0xC0  }
0xad: {  	_ =	task [dreg:s9], $0x5FFFF  }
0xae: {  	[dreg:$0x1] =	wrdreg $0xFFFFFFFF  }
0xaf: {  	[dreg:$0x0] =	wrdreg $0x60  }
0xb0: {  	[dreg:$0x2] =	wrdreg s2  }
0xb1: {  	[dreg:$0x3] =	wrdreg s18  }
0xb2: {  	[dreg:$0x4] =	wrdreg s4  }
0xb3: {  	[dreg:$0x5] =	wrdreg s24  }
0xb4: {  	[dreg:$0x6] =	wrdreg $0x9  }
0xb5: {  	_ =	task.clear_ibuf [dreg:s9], $0x7FFFF;
	_ =	strace $0x90000049  }
0xb6: {  	s29 =	simm.s32 $0x9;
	_ =	strace $0x8000004B  }
0xb7: {  	_ =	swait.ge [sflag:s29], $0x1  }
0xb8: {  	[sflag:s29] =	ssyncadd.s32 $0xFFFFFFFF  }
0xb9: {  	_ =	strace $0x9000004B  }
0xba: {  	_ =	sfence  }
0xbb: {  	s30 =	sld [smem:$0x0];
	_ =	sdelay $0x2  }
0xbc: {  	s31 =	sshll.u32 s1, $0xD;
	s1 =	sshrl.u32 s1, $0x2  }
0xbd: {  	s3 =	sand.u32 $0x4000, s31;
	s1 =	sadd.s32 s1, s30  }
0xbe: {  	s0 =	sor.u32 s3, s0;
	s1 =	sshll.u32 s1, $0x11  }
0xbf: {  	s0 =	sor.u32 s1, s0  }
0xc0: {  	s0 =	sadd.s32 $0x8F2B, s0  }
0xc1: {  	[sflag:s0] =	ssyncadd.remote.s32 $0x1  }
0xc2: {  	_ =	sfence.sel $0xFFFF  }
0xc3: {  	[dreg:$0x0] =	wrdreg $0xFFFFFFFF;
	(pc) =	sbr.abs _section_cstart, $3  }
0xc4: {  	[dreg:$0x1] =	wrdreg $0xFFFFFFFF  }
0xc5: {  	_ =	task.clear_ibuf [dreg:s9], $0x2FFFF;
	_ =	strace $0x9FFFFFFF  }
0xc6: {  	(tm) =	ssettm $0x7FFFFFFF  }
0xc7: {  	_ =	shalt  }
tec
execute0_lowered:
.L_overlay_start_1:
0x0: {  	(tag) =	ssettag $0x1  }
0x1: {  	v0 =	vimm.s32 $0x8000000E;
	vm0 =	vcmask $0x300  }
0x2: {  	v0 =	vsel vm0, $0x8000000F, v0;
	vm0 =	vcmask $0x704  }
0x3: {  	v0 =	vsel vm0, $0x80000000, v0;
	vm0 =	vcmask $0xB08  }
0x4: {  	v0 =	vsel vm0, $0x80000001, v0;
	vm0 =	vcmask $0xF0C  }
0x5: {  	v0 =	vsel vm0, $0x80000002, v0;
	vm0 =	vcmask $0x1310  }
0x6: {  	v0 =	vsel vm0, $0x80000003, v0;
	vm0 =	vcmask $0x1714  }
0x7: {  	s1 =	rddreg [dreg:$0x0];
	v0 =	vsel vm0, $0x80000004, v0;
	vm0 =	vcmask $0x1B18  }
0x8: {  	s3 =	srdreg.scid;
	s0 =	stileid.u32;
	v0 =	vsel vm0, $0x80000005, v0;
	vm0 =	vcmask $0x1F1C  }
0x9: {  	s2 =	rddreg [dreg:$0x1];
	s6 =	sand.u32 $0x1, s3;
	s4 =	sshll.u32 s0, $0x1;
	v0 =	vsel vm0, $0x80000006, v0;
	vm0 =	vcmask $0x2320  }
0xa: {  	s7 =	rddreg [dreg:$0x3];
	s4 =	sor.u32 s6, s4;
	v0 =	vsel vm0, $0x80000007, v0;
	vm0 =	vcmask $0x2724  }
0xb: {  	s5 =	simm.s32 $0x0;
	s3 =	rddreg [dreg:$0x2];
	s8 =	smul.u32 $0xC40, s4;
	v0 =	vsel vm0, $0x80000008, v0;
	vm0 =	vcmask $0x2B28  }
0xc: {  	s10 =	simm.s32 $0x8000;
	s11 =	simm.s32 $0xC000;
	[smem:$0x7FF] =	sst s5;
	v0 =	vsel vm0, $0x80000009, v0;
	vm0 =	vcmask $0x2F2C  }
0xd: {  	s6 =	ssub.s32 $0x2, s6;
	s4 =	rddreg [dreg:$0x4];
	s9 =	sshrl.u32 s8, $0x3;
	v0 =	vsel vm0, $0x8000000A, v0;
	vm0 =	vcmask $0x3330  }
0xe: {  	_ =	strace $0x8000004A;
	s31 =	sshrl.u32 s6, $0x1;
	s7 =	sadd.s32 s9, s7;
	v1 =	vsel vm0, $0x8000000B, v0;
	vm0 =	vcmask $0x3734  }
0xf: {  	s12 =	simm.s32 $0x0;
	s9 =	ssub.s32 s6, s31;
	s6 =	sadd.s32 $0x82E00, s7;
	v0 =	vmov s8;
	v2 =	vsel vm0, $0x8000000C, v1;
	vm0 =	vcmask $0x3B38  }
0x10: {  	s7 =	smax.u32 s9, $0x1;
	s9 =	simm.s32 $0x4000;
	s8 =	simm.s32 $0x1;
	v1 =	vimm.s32 $0x0;
	v2 =	vsel vm0, $0x8000000D, v2;
	vm0 =	vcmask $0x3F3C  }
.LBB2_1:
0x11: {  	[tilespmem:s5], [sflag:$0x1] =	stream.linear.gather [hbm4b:s1+s5], $0x4000, $0x38;
	[tilespmem:$0xCC80] =	vst v63  }
0x12: {  	_ =	swait.ge [sflag:s8], $0x4000  }
0x13: {  	[sflag:s8] =	ssyncset.done $0x0  }
0x14: {  	[sflag:s8] =	ssyncadd.s32 $0xFFFFC000  }
0x15: {  	[tilespmem:s9], [sflag:$0x1] =	stream.linear.gather [hbm4b:s2+s5], $0x4000, $0x38;
	[tilespmem:$0xCC80] =	vst v63  }
0x16: {  	_ =	swait.ge [sflag:s8], $0x4000  }
0x17: {  	[sflag:s8] =	ssyncset.done $0x0  }
0x18: {  	[sflag:s8] =	ssyncadd.s32 $0xFFFFC000  }
0x19: {  	[tilespmem:s10], [sflag:$0x1] =	stream.linear.gather [hbm4b:s3+s5], $0x4000, $0x38;
	[tilespmem:$0xCC80] =	vst v63  }
0x1a: {  	_ =	swait.ge [sflag:s8], $0x4000  }
0x1b: {  	[sflag:s8] =	ssyncset.done $0x0  }
0x1c: {  	s13 =	simm.s32 $0x0;
	[sflag:s8] =	ssyncadd.s32 $0xFFFFC000  }
.LBB2_2:
0x1d: {  	p0 =	sne.s32 s13, $0x30C0  }
.Ltmp0:
0x1e: {  	_ = 	snop;
	(pc) =	sbr.rel @p0 .LBB2_2-.Ltmp0, $3  }
0x1f: {  	_ =	sdelay $0x1  }
0x20: {  	s14 =	sshra.s32 s13, $0x2  }
0x21: {  	s13 =	sadd.s32 $0x40, s13;
	[tilespmem:s14+$0xC000] =	vst v1  }
0x22: {  	s14 =	simm.s32 $0x0  }
0x23: {  	s13 =	simm.s32 $0x40;
	v3 =	vld [tilespmem:s14+$0x8000]  }
.LBB2_4:
0x24: {  	p0 =	sne.s32 s13, $0xFFC0;
	v4 =	vld [tilespmem:s14+$0x0]  }
0x25: {  	v5 =	vld [tilespmem:s14+$0x4000];
	_ =	sdelay $0x3  }
0x26: {  	v4 =	vsub.s32 v4, v0  }
0x27: {  	vm1 =	vgt.s32 v5, v3;
	vm2 =	vlt.u32 v4, $0xC40;
	v4 =	vshll.u32 v4, $0x14  }
0x28: {  	v3 =	vsel vm1, v5, v3;
	v4 =	vnsel vm2, $0xFFF00000, v4  }
0x29: {  	v3 =	vor.u32 v3, v4  }
0x2a: {  	v4 =	vxor.u32 $0x80000000, v3  }
0x2b: {  	(xrf1) =	vsort.ascd.msk.u32 $0xffff, v4, v3;
	_ =	sdelay $0xd  }
0x2c: {  	_, v3, _ =	vpop (xrf1)  }
0x2d: {  	(xrf1) =	vsort.ascd.msk.u32 $0xffff, v2, v3;
	_ =	sdelay $0x9  }
0x2e: {  	v4 =	vshrl.u32 v3, $0x14  }
0x2f: {  	v5 =	vmin.u32 v4, $0xC3F;
	_ =	sdelay $0x2  }
0x30: {  	_, v6, _ =	vpop (xrf1)  }
0x31: {  	v6 =	vshrl.u32 v6, $0x14  }
0x32: {  	vm1 =	vne.s32 v4, v6;
	v6 =	vld.idx.msk [tilespmem:v5+s11+$0x0], $0xffff  }
0x33: {  	vm2 =	vne.s32 v4, $0xFFF;
	vm1 =	vmor vm1, vm0  }
0x34: {  	vm1 =	vmand vm2, vm1;
	_ =	sdelay $0x2  }
.Ltmp1:
0x35: {  	v3 =	vand.u32 $0xFFFFF, v3;
	(pc) =	sbr.rel @p0 .LBB2_4-.Ltmp1, $4  }
0x36: {  	vm2 =	vgt.s32 v6, v3  }
0x37: {  	v3 =	vsel vm2, v6, v3  }
0x38: {  	s14 =	sshra.s32 s13, $0x2;
	[tilespmem:v5+s11+$0x0] =	vst.idx.msk vm1, v3  }
0x39: {  	s13 =	sadd.s32 $0x40, s13;
	v3 =	vld [tilespmem:s14+$0x8000]  }
0x3a: {  	v4 =	vld [tilespmem:s14+$0x0]  }
0x3b: {  	v5 =	vld [tilespmem:s14+$0x4000];
	_ =	sdelay $0x3  }
0x3c: {  	v4 =	vsub.s32 v4, v0  }
0x3d: {  	vm1 =	vgt.s32 v5, v3;
	vm2 =	vlt.u32 v4, $0xC40;
	v4 =	vshll.u32 v4, $0x14  }
0x3e: {  	v3 =	vsel vm1, v5, v3;
	v4 =	vnsel vm2, $0xFFF00000, v4  }
0x3f: {  	v3 =	vor.u32 v3, v4  }
0x40: {  	v4 =	vxor.u32 $0x80000000, v3  }
0x41: {  	(xrf1) =	vsort.ascd.msk.u32 $0xffff, v4, v3;
	_ =	sdelay $0xd  }
0x42: {  	_, v3, _ =	vpop (xrf1)  }
0x43: {  	(xrf1) =	vsort.ascd.msk.u32 $0xffff, v2, v3;
	_ =	sdelay $0xa  }
0x44: {  	v61 =	vshrl.u32 v3, $0x14  }
0x45: {  	v62 =	vmin.u32 v61, $0xC3F;
	_ =	sdelay $0x1  }
0x46: {  	_, v6, _ =	vpop (xrf1)  }
0x47: {  	v6 =	vshrl.u32 v6, $0x14  }
0x48: {  	vm1 =	vne.s32 v61, v6  }
0x49: {  	vm2 =	vne.s32 v61, $0xFFF;
	v63 =	vld.idx.msk [tilespmem:v62+s11+$0x0], $0xffff;
	vm1 =	vmor vm1, vm0  }
0x4a: {  	vm1 =	vmand vm2, vm1;
	_ =	sdelay $0x2  }
0x4b: {  	v3 =	vand.u32 $0xFFFFF, v3  }
0x4c: {  	s12 =	sadd.s32 $0x1, s12;
	vm2 =	vgt.s32 v63, v3  }
0x4d: {  	p0 =	sne.s32 s12, s7;
	v3 =	vsel vm2, v63, v3  }
.Ltmp2:
0x4e: {  	[tilespmem:v62+s11+$0x0] =	vst.idx.msk vm1, v3;
	(pc) =	sbr.rel @p0 .LBB2_1-.Ltmp2, $4  }
0x4f: {  	[hbm4b:s6+s5] =	stream.linear.scatter [tilespmem:s11], [sflag:$0x1], $0xC40, $0x38;
	[tilespmem:$0xCC80] =	vst v63  }
0x50: {  	_ =	swait.ge [sflag:s8], $0xC40  }
0x51: {  	[sflag:s8] =	ssyncset.done $0x0  }
0x52: {  	[sflag:s8] =	ssyncadd.s32 $0xFFFFF3C0  }
0x53: {  	_ =	sfence.sel $0x180000  }
0x54: {  	[bflag:$0x0] =	sbarrier.arrive $0xFFFF  }
0x55: {  	p0 =	sne.s32 s0, $0x0;
	_ =	strace $0x9000004A  }
0x56: {  	s0 =	sadd.s32 @!p0 $0x100000, s4;
	[bflag:$0x2] =	sbarrier.arrive $0xFFFF  }
0x57: {  	[sflag:s0] =	ssyncadd.tile.s32 @!p0 $0x1;
	_ =	shalt  }
.Lfunc_end2:
_tile_overlayer_lowered:
.L_overlay_start_2:
0x58: {  	(tag) =	ssettag $0x2  }
0x59: {  	s0 =	rddreg [dreg:$0x0];
	s2 =	stileid.u32  }
0x5a: {  	s1 =	rddreg [dreg:$0x1];
	p0 =	sne.s32 s2, $0x0  }
0x5b: {  	s3 =	rddreg [dreg:$0x2];
	[bflag:$0x3] =	sbarrier.arrive $0xFFFF;
	s2 =	simm.s32 @!p0 $0x1C01  }
0x5c: {  	[timem:s3], [sflag:s2] =	dma.local @!p0 [hbm:s0], s1  }
0x5d: {  	s0 =	simm.s32 @!p0 $0x1  }
0x5e: {  	_ =	swait.ge @!p0 [sflag:s0], s1  }
0x5f: {  	s1 =	ssub.s32 @!p0 $0x0, s1;
	[sflag:s0] =	ssyncset.done @!p0 $0x0  }
0x60: {  	[sflag:s0] =	ssyncadd.s32 @!p0 s1  }
0x61: {  	[bflag:$0x3] =	sbarrier.arrive $0xFFFF  }
0x62: {  	_ =	shalt  }

</sc_bundles>
